<compile_context>
chip_gen: v7x
topology: tpu7x:2x2x1
jax: 0.10.2.dev20260603
libtpu: 0.0.44.dev20260713+nightly
codegen_flags: <defaults>
</compile_context>

<pallas_src>
import functools

import jax
import jax.numpy as jnp
from jax import lax
from jax.experimental import pallas as pl
from jax.experimental.pallas import tpu as pltpu
from jax.experimental.pallas import tpu_sc as plsc

NUM_PID = 5532
QUEUE_SIZE = 5000
D = 256
B = 1024
NUM_GT = 512
SCALAR = 10.0
TOT = NUM_PID + QUEUE_SIZE

CBLK = 2048
GRID = 3
LUT_TAIL = NUM_PID - (GRID - 1) * CBLK
Q_TAIL = QUEUE_SIZE - (GRID - 1) * CBLK
SBLK = 2048
SRC_PAD = GRID * SBLK

NW = 32
ROWS_W = 192
HALF = ROWS_W // 2
NFULL = NUM_PID // ROWS_W
TAIL_BASE = NFULL * ROWS_W
TAIL_N = 160
TAIL_LIN = 152
TAIL_SCAT = 144
NEG = -1e30
K1 = SCALAR * 1.4426950408889634


def _tc_body(ng_ref, f_ref, tcol_ref, trow_ref, lut_ref, q_ref,
             loss_ref, upd_ref, src_ref, m_sc, s_sc, tl_sc):
    k = pl.program_id(0)

    @pl.when(k == 0)
    def _prologue():
        m_sc[...] = jnp.full((B, 1), NEG, jnp.float32)
        s_sc[...] = jnp.zeros((B, 1), jnp.float32)
        tl_sc[...] = jnp.zeros((B, 1), jnp.float32)
        f_g = f_ref[0:NUM_GT, :]
        n2 = jnp.sum(f_g * f_g, axis=1, keepdims=True)
        upd_ref[...] = f_g / jnp.maximum(jnp.sqrt(n2), 1e-12)

    ng = ng_ref[0, 0]
    tgr = trow_ref[0]
    jrow = lax.broadcasted_iota(jnp.int32, (1, NUM_GT), 1)
    validr = (jrow < ng) & (tgr >= 0) & (tgr < NUM_PID)
    rloc = lax.broadcasted_iota(jnp.int32, (SBLK, 1), 0)
    rglob = jnp.minimum(rloc + k * SBLK, NUM_PID - 1)
    eq = (rglob == tgr) & validr
    jmat = lax.broadcasted_iota(jnp.int32, (SBLK, NUM_GT), 1)
    found = jnp.max(jnp.where(eq, jmat, -1), axis=1, keepdims=True)
    src_ref[...] = jnp.where(found >= 0, found, NUM_GT + rglob)

    d_l = lax.dot_general(f_ref[...], lut_ref[...],
                          (((1,), (1,)), ((), ())),
                          preferred_element_type=jnp.float32
                          ).astype(jnp.bfloat16)
    d_q = lax.dot_general(f_ref[...], q_ref[...],
                          (((1,), (1,)), ((), ())),
                          preferred_element_type=jnp.float32
                          ).astype(jnp.bfloat16)

    def _accum(d, extract):
        bm = jnp.max(d, axis=1, keepdims=True).astype(jnp.float32)
        m_new = jnp.maximum(m_sc[...], bm)
        c = K1 * m_new
        e = jnp.exp2(K1 * d.astype(jnp.float32) - c)
        s_sc[...] = (s_sc[...] * jnp.exp2(K1 * m_sc[...] - c)
                     + jnp.sum(e, axis=1, keepdims=True))
        m_sc[...] = m_new
        if extract:
            t = tcol_ref[...]
            col = k * CBLK + lax.broadcasted_iota(jnp.int32, (B, CBLK), 1)
            tl_sc[...] += jnp.sum(
                jnp.where(col == t, d.astype(jnp.float32), 0.0),
                axis=1, keepdims=True)

    @pl.when(k < GRID - 1)
    def _clean_step():
        _accum(d_l, True)
        _accum(d_q, False)

    @pl.when(k == GRID - 1)
    def _masked_step():
        lane = lax.broadcasted_iota(jnp.int32, (B, CBLK), 1)
        _accum(jnp.where(lane < LUT_TAIL, d_l, jnp.bfloat16(NEG)), True)
        _accum(jnp.where(lane < Q_TAIL, d_q, jnp.bfloat16(NEG)), False)

    @pl.when(k == GRID - 1)
    def _epilogue():
        t = tcol_ref[...]
        lse = SCALAR * m_sc[...] + jnp.log(s_sc[...])
        nll = lse - SCALAR * tl_sc[...]
        w = ((t >= 0) & (t < NUM_PID)).astype(jnp.float32)
        loss_ref[0, 0] = jnp.sum(w * nll) / jnp.maximum(jnp.sum(w), 1e-12)


def _tc_loss(ng, features, tcol, trow, lut, queue):
    return pl.pallas_call(
        _tc_body,
        grid=(GRID,),
        in_specs=[
            pl.BlockSpec(memory_space=pltpu.SMEM),
            pl.BlockSpec((B, D), lambda k: (0, 0)),
            pl.BlockSpec((B, 1), lambda k: (0, 0)),
            pl.BlockSpec((1, 1, NUM_GT), lambda k: (0, 0, 0)),
            pl.BlockSpec((CBLK, D), lambda k: (k, 0)),
            pl.BlockSpec((CBLK, D), lambda k: (k, 0)),
        ],
        out_specs=[
            pl.BlockSpec(memory_space=pltpu.SMEM),
            pl.BlockSpec((NUM_GT, D), lambda k: (0, 0)),
            pl.BlockSpec((SBLK, 1), lambda k: (k, 0)),
        ],
        out_shape=[
            jax.ShapeDtypeStruct((1, 1), jnp.float32),
            jax.ShapeDtypeStruct((NUM_GT, D), jnp.float32),
            jax.ShapeDtypeStruct((SRC_PAD, 1), jnp.int32),
        ],
        scratch_shapes=[
            pltpu.VMEM((B, 1), jnp.float32),
            pltpu.VMEM((B, 1), jnp.float32),
            pltpu.VMEM((B, 1), jnp.float32),
        ],
    )(ng, features, tcol, trow, lut, queue)


def _sc_body(table_hbm, src_hbm, out_hbm, idx_v, oidx_v, rows_v, sem):
    wid = lax.axis_index("s") * 2 + lax.axis_index("c")
    base = wid * ROWS_W

    @pl.when(wid < NFULL)
    def _full_block():
        pltpu.sync_copy(src_hbm.at[pl.ds(base, ROWS_W)], idx_v)
        cp_a = pltpu.async_copy(table_hbm.at[idx_v.at[pl.ds(0, HALF)]],
                                rows_v.at[pl.ds(0, HALF)], sem)
        cp_b = pltpu.async_copy(table_hbm.at[idx_v.at[pl.ds(HALF, HALF)]],
                                rows_v.at[pl.ds(HALF, HALF)], sem)
        cp_a.wait()
        wr_a = pltpu.async_copy(rows_v.at[pl.ds(0, HALF)],
                                out_hbm.at[pl.ds(base, HALF)], sem)
        cp_b.wait()
        wr_b = pltpu.async_copy(rows_v.at[pl.ds(HALF, HALF)],
                                out_hbm.at[pl.ds(base + HALF, HALF)], sem)
        wr_a.wait()
        wr_b.wait()

    @pl.when(wid == NFULL)
    def _tail_block():
        pltpu.sync_copy(src_hbm.at[pl.ds(TAIL_BASE, TAIL_N)],
                        idx_v.at[pl.ds(0, TAIL_N)])
        cp_a = pltpu.async_copy(table_hbm.at[idx_v.at[pl.ds(0, HALF)]],
                                rows_v.at[pl.ds(0, HALF)], sem)
        cp_b = pltpu.async_copy(
            table_hbm.at[idx_v.at[pl.ds(HALF, TAIL_N - HALF)]],
            rows_v.at[pl.ds(HALF, TAIL_N - HALF)], sem)
        cp_a.wait()
        cp_b.wait()
        pltpu.sync_copy(rows_v.at[pl.ds(0, TAIL_LIN)],
                        out_hbm.at[pl.ds(TAIL_BASE, TAIL_LIN)])
        oidx_v[...] = jnp.minimum(
            TAIL_BASE + TAIL_SCAT
            + lax.broadcasted_iota(jnp.int32, (16,), 0),
            NUM_PID - 1)
        pltpu.async_copy(rows_v.at[pl.ds(TAIL_SCAT, 16)],
                         out_hbm.at[oidx_v], sem).wait()


def _sc_update(table, srcidx):
    mesh = plsc.VectorSubcoreMesh(core_axis_name="c", subcore_axis_name="s")
    run = functools.partial(
        pl.kernel, _sc_body, mesh=mesh,
        out_type=jax.ShapeDtypeStruct((NUM_PID, D), jnp.float32),
        scratch_types=[
            pltpu.VMEM((ROWS_W,), jnp.int32),
            pltpu.VMEM((16,), jnp.int32),
            pltpu.VMEM((ROWS_W, D), jnp.float32),
            pltpu.SemaphoreType.DMA,
        ],
    )()
    return run(table, srcidx)


def kernel(features, targets, lut, queue, num_gt):
    ng = jnp.asarray(num_gt, jnp.int32).reshape(1, 1)
    tcol = targets.reshape(B, 1)
    trow = targets[:NUM_GT].reshape(1, 1, NUM_GT)
    loss2d, upd, srcidx = _tc_loss(ng, features, tcol, trow, lut, queue)
    table = jnp.concatenate([upd, lut], axis=0)
    out = _sc_update(table, srcidx.reshape(-1))
    return loss2d[0, 0], out, queue

# --- scband reference (transcript-rebuilt; emitter-appended) ---
"""Pipeline reference for scband-oimloss-computation-80135499809481 (READ-ONLY COPY).

The authoritative reference and input builder live on the scoring server;
editing this copy changes nothing except your own understanding.
"""

import jax, jax.numpy as jnp
import numpy as np

NUM_PID = 5532
QUEUE_SIZE = 5000
D = 256
B = 1024
NUM_GT = 512
MOMENTUM = 0.0
SCALAR = 10.0
LOSS_SCALE = 1.0


def setup_inputs(seed: int = 0) -> dict:
    key = jax.random.key(seed)
    k1, k2, k3, k4 = jax.random.split(key, 4)
    features = jax.random.normal(k1, (B, D), dtype=jnp.float32)
    targets = jax.random.randint(k2, (B,), 0, NUM_PID, dtype=jnp.int32)
    lut = jax.random.normal(k3, (NUM_PID, D), dtype=jnp.float32)
    lut = lut / jnp.linalg.norm(lut, axis=-1, keepdims=True)
    queue = jax.random.normal(k4, (QUEUE_SIZE, D), dtype=jnp.float32)
    queue = queue / jnp.linalg.norm(queue, axis=-1, keepdims=True)
    return {"features": features, "targets": targets, "lut": lut, "queue": queue, "num_gt": NUM_GT}


def reference(features, targets, lut, queue, num_gt):
    # OIM forward: logits against labeled LUT and unlabeled circular queue
    outputs_labeled = features @ lut.T
    outputs_unlabeled = features @ queue.T
    reid_result = jnp.concatenate([outputs_labeled, outputs_unlabeled], axis=1)
    # weighted cross-entropy with ignore_index=-1, weight = [ones(num_pid), zeros(queue_size)]
    weight = jnp.concatenate([jnp.ones((NUM_PID,), jnp.float32), jnp.zeros((QUEUE_SIZE,), jnp.float32)])
    scaled = reid_result * SCALAR
    logp = jax.nn.log_softmax(scaled, axis=-1)
    valid = targets >= 0
    safe_t = jnp.where(valid, targets, 0)
    nll = -jnp.take_along_axis(logp, safe_t[:, None], axis=1)[:, 0]
    w = weight[safe_t] * valid.astype(jnp.float32)
    loss = jnp.sum(w * nll) / jnp.maximum(jnp.sum(w), 1e-12)
    loss = loss * LOSS_SCALE
    # memory updates (done in OIM.backward in torch; side-effect scatter writes)
    gt_x = features[:NUM_GT]
    gt_y = targets[:NUM_GT]
    upd = MOMENTUM * lut[jnp.clip(gt_y, 0, NUM_PID - 1)] + (1.0 - MOMENTUM) * gt_x
    upd = upd / jnp.maximum(jnp.linalg.norm(upd, axis=-1, keepdims=True), 1e-12)
    valid_gt = (gt_y >= 0) & (gt_y < NUM_PID) & (jnp.arange(NUM_GT) < num_gt)
    safe_gy = jnp.where(valid_gt, gt_y, 0)
    cur_rows = lut[safe_gy]
    new_rows = jnp.where(valid_gt[:, None], upd, cur_rows)
    new_lut = lut.at[safe_gy].set(new_rows)
    # queue FIFO append applies only to targets == -1; none generated here, queue unchanged
    new_queue = queue
    return loss, new_lut, new_queue

if __name__ == "__main__":
    import jax
    _d = setup_inputs()
    print(jax.jit(kernel)(*tuple(_d.values())))

</pallas_src>

<mosaic_0001>
#map = affine_map<(d0, d1) -> (0, 0)>
#map1 = affine_map<(d0, d1) -> (0)>
module attributes {stable_mosaic.version = 14 : i64} {
  func.func @_sc_body(%arg0: i32, %arg1: i32, %arg2: memref<6044x256xf32, #tpu.memory_space<hbm>>, %arg3: memref<6144xi32, #tpu.memory_space<hbm>>, %arg4: memref<5532x256xf32, #tpu.memory_space<hbm>>, %arg5: memref<192xi32, #tpu.memory_space<vmem>>, %arg6: memref<16xi32, #tpu.memory_space<vmem>>, %arg7: memref<192x256xf32, #tpu.memory_space<vmem>>, %arg8: memref<!tpu.dma_semaphore, #tpu.memory_space<semaphore_mem>>) attributes {dimension_semantics = [#tpu.dimension_semantics<core_parallel>, #tpu.dimension_semantics<subcore_parallel>], iteration_bounds = array<i64: 2, 16>, scalar_prefetch = 0 : i64, scratch_operands = 4 : i64, tpu.core_type = #tpu.core_type<sc_vector_subcore>, window_params = [{transform_indices = #map}, {transform_indices = #map1}, {transform_indices = #map}]} {
    %mul3A = arith.constant 2 : i32
    %mul3A_0 = arith.muli %arg1, %mul3A : i32
    %add3A = arith.addi %mul3A_0, %arg0 : i32
    %mul3A_1 = arith.constant 192 : i32
    %mul3A_2 = arith.muli %add3A, %mul3A_1 : i32
    %lt3A = arith.constant 28 : i32
    %lt3A_3 = arith.cmpi slt, %add3A, %lt3A : i32
    %convert_element_type3A = arith.extui %lt3A_3 : i1 to i32
    %cond3A = arith.constant 0 : i32
    %cond3A_4 = arith.cmpi ne, %convert_element_type3A, %cond3A : i32
    scf.if %cond3A_4 {
      "tpu.region"() ({
        %run_scoped3A = tpu.sem_alloc : memref<!tpu.dma_semaphore, #tpu.memory_space<semaphore_mem>>
        %dma_start3A_81 = tpu.memref_slice %arg3[%mul3A_2] : memref<6144xi32, #tpu.memory_space<hbm>> -> memref<192xi32, #tpu.memory_space<hbm>>
        %dma_start3A_82 = tpu.memref_slice %arg3[%mul3A_2] : memref<6144xi32, #tpu.memory_space<hbm>> -> memref<192xi32, #tpu.memory_space<hbm>>
        tpu.enqueue_dma source(%dma_start3A_82 : memref<192xi32, #tpu.memory_space<hbm>>) target(%arg5 : memref<192xi32, #tpu.memory_space<vmem>>) target_semaphore(%run_scoped3A : memref<!tpu.dma_semaphore, #tpu.memory_space<semaphore_mem>>)
        %dma_wait3A_83 = tpu.memref_slice %arg3[%mul3A_2] : memref<6144xi32, #tpu.memory_space<hbm>> -> memref<192xi32, #tpu.memory_space<hbm>>
        %dma_wait3A_84 = tpu.memref_slice %arg3[%mul3A_2] : memref<6144xi32, #tpu.memory_space<hbm>> -> memref<192xi32, #tpu.memory_space<hbm>>
        tpu.wait_dma2 semaphore(%run_scoped3A : memref<!tpu.dma_semaphore, #tpu.memory_space<semaphore_mem>>) src(%dma_wait3A_84 : memref<192xi32, #tpu.memory_space<hbm>>) dst(%arg5 : memref<192xi32, #tpu.memory_space<vmem>>)
        tpu.yield
      }) : () -> ()
      %dma_start3A = arith.constant 0 : i32
      %dma_start3A_9 = arith.constant 0 : i32
      %dma_start3A_10 = tpu.memref_slice %arg7[%dma_start3A, %dma_start3A_9] : memref<192x256xf32, #tpu.memory_space<vmem>> -> memref<96x256xf32, #tpu.memory_space<vmem>>
      %dma_start3A_11 = arith.constant 0 : i32
      %dma_start3A_12 = tpu.memref_slice %arg5[%dma_start3A_11] : memref<192xi32, #tpu.memory_space<vmem>> -> memref<96xi32, #tpu.memory_space<vmem>>
      %dma_start3A_13 = arith.constant 0 : i32
      %dma_start3A_14 = arith.constant 0 : i32
      %dma_start3A_15 = tpu.memref_slice %arg2[%dma_start3A_13, %dma_start3A_14] : memref<6044x256xf32, #tpu.memory_space<hbm>> -> memref<6044x256xf32, #tpu.memory_space<hbm>>
      tpu.enqueue_indirect_dma source(%dma_start3A_15 : memref<6044x256xf32, #tpu.memory_space<hbm>>) target(%dma_start3A_10 : memref<96x256xf32, #tpu.memory_space<vmem>>) offsets(%dma_start3A_12 : memref<96xi32, #tpu.memory_space<vmem>>) semaphore(%arg8 : memref<!tpu.dma_semaphore, #tpu.memory_space<semaphore_mem>>)
      %dma_start3A_16 = arith.constant 96 : i32
      %dma_start3A_17 = arith.constant 0 : i32
      %dma_start3A_18 = tpu.memref_slice %arg7[%dma_start3A_16, %dma_start3A_17] : memref<192x256xf32, #tpu.memory_space<vmem>> -> memref<96x256xf32, #tpu.memory_space<vmem>>
      %dma_start3A_19 = arith.constant 96 : i32
      %dma_start3A_20 = tpu.memref_slice %arg5[%dma_start3A_19] : memref<192xi32, #tpu.memory_space<vmem>> -> memref<96xi32, #tpu.memory_space<vmem>>
      %dma_start3A_21 = arith.constant 0 : i32
      %dma_start3A_22 = arith.constant 0 : i32
      %dma_start3A_23 = tpu.memref_slice %arg2[%dma_start3A_21, %dma_start3A_22] : memref<6044x256xf32, #tpu.memory_space<hbm>> -> memref<6044x256xf32, #tpu.memory_space<hbm>>
      tpu.enqueue_indirect_dma source(%dma_start3A_23 : memref<6044x256xf32, #tpu.memory_space<hbm>>) target(%dma_start3A_18 : memref<96x256xf32, #tpu.memory_space<vmem>>) offsets(%dma_start3A_20 : memref<96xi32, #tpu.memory_space<vmem>>) semaphore(%arg8 : memref<!tpu.dma_semaphore, #tpu.memory_space<semaphore_mem>>)
      %dma_wait3A = arith.constant 0 : i32
      %dma_wait3A_24 = arith.constant 0 : i32
      %dma_wait3A_25 = tpu.memref_slice %arg7[%dma_wait3A, %dma_wait3A_24] : memref<192x256xf32, #tpu.memory_space<vmem>> -> memref<96x256xf32, #tpu.memory_space<vmem>>
      %dma_wait3A_26 = arith.constant 0 : i32
      %dma_wait3A_27 = tpu.memref_slice %arg5[%dma_wait3A_26] : memref<192xi32, #tpu.memory_space<vmem>> -> memref<96xi32, #tpu.memory_space<vmem>>
      %dma_wait3A_28 = arith.constant 0 : i32
      %dma_wait3A_29 = arith.constant 0 : i32
      %dma_wait3A_30 = tpu.memref_slice %arg2[%dma_wait3A_28, %dma_wait3A_29] : memref<6044x256xf32, #tpu.memory_space<hbm>> -> memref<6044x256xf32, #tpu.memory_space<hbm>>
      tpu.wait_indirect_dma semaphore(%arg8 : memref<!tpu.dma_semaphore, #tpu.memory_space<semaphore_mem>>) src(%dma_wait3A_30 : memref<6044x256xf32, #tpu.memory_space<hbm>>) dst(%dma_wait3A_25 : memref<96x256xf32, #tpu.memory_space<vmem>>)
      %dma_start3A_31 = arith.constant 0 : i32
      %dma_start3A_32 = arith.constant 0 : i32
      %dma_start3A_33 = tpu.memref_slice %arg7[%dma_start3A_31, %dma_start3A_32] : memref<192x256xf32, #tpu.memory_space<vmem>> -> memref<96x256xf32, #tpu.memory_space<vmem>>
      %dma_start3A_34 = arith.constant 0 : i32
      %dma_start3A_35 = tpu.memref_slice %arg4[%mul3A_2, %dma_start3A_34] : memref<5532x256xf32, #tpu.memory_space<hbm>> -> memref<96x256xf32, #tpu.memory_space<hbm>>
      %dma_start3A_36 = arith.constant 0 : i32
      %dma_start3A_37 = tpu.memref_slice %arg4[%mul3A_2, %dma_start3A_36] : memref<5532x256xf32, #tpu.memory_space<hbm>> -> memref<96x256xf32, #tpu.memory_space<hbm>>
      %dma_start3A_38 = arith.constant 0 : i32
      %dma_start3A_39 = arith.constant 0 : i32
      %dma_start3A_40 = tpu.memref_slice %arg7[%dma_start3A_38, %dma_start3A_39] : memref<192x256xf32, #tpu.memory_space<vmem>> -> memref<96x256xf32, #tpu.memory_space<vmem>>
      tpu.enqueue_dma source(%dma_start3A_40 : memref<96x256xf32, #tpu.memory_space<vmem>>) target(%dma_start3A_37 : memref<96x256xf32, #tpu.memory_space<hbm>>) target_semaphore(%arg8 : memref<!tpu.dma_semaphore, #tpu.memory_space<semaphore_mem>>)
      %dma_wait3A_41 = arith.constant 96 : i32
      %dma_wait3A_42 = arith.constant 0 : i32
      %dma_wait3A_43 = tpu.memref_slice %arg7[%dma_wait3A_41, %dma_wait3A_42] : memref<192x256xf32, #tpu.memory_space<vmem>> -> memref<96x256xf32, #tpu.memory_space<vmem>>
      %dma_wait3A_44 = arith.constant 96 : i32
      %dma_wait3A_45 = tpu.memref_slice %arg5[%dma_wait3A_44] : memref<192xi32, #tpu.memory_space<vmem>> -> memref<96xi32, #tpu.memory_space<vmem>>
      %dma_wait3A_46 = arith.constant 0 : i32
      %dma_wait3A_47 = arith.constant 0 : i32
      %dma_wait3A_48 = tpu.memref_slice %arg2[%dma_wait3A_46, %dma_wait3A_47] : memref<6044x256xf32, #tpu.memory_space<hbm>> -> memref<6044x256xf32, #tpu.memory_space<hbm>>
      tpu.wait_indirect_dma semaphore(%arg8 : memref<!tpu.dma_semaphore, #tpu.memory_space<semaphore_mem>>) src(%dma_wait3A_48 : memref<6044x256xf32, #tpu.memory_space<hbm>>) dst(%dma_wait3A_43 : memref<96x256xf32, #tpu.memory_space<vmem>>)
      %add3A_49 = arith.constant 96 : i32
      %add3A_50 = arith.addi %mul3A_2, %add3A_49 : i32
      %dma_start3A_51 = arith.constant 96 : i32
      %dma_start3A_52 = arith.constant 0 : i32
      %dma_start3A_53 = tpu.memref_slice %arg7[%dma_start3A_51, %dma_start3A_52] : memref<192x256xf32, #tpu.memory_space<vmem>> -> memref<96x256xf32, #tpu.memory_space<vmem>>
      %dma_start3A_54 = arith.constant 0 : i32
      %dma_start3A_55 = tpu.memref_slice %arg4[%add3A_50, %dma_start3A_54] : memref<5532x256xf32, #tpu.memory_space<hbm>> -> memref<96x256xf32, #tpu.memory_space<hbm>>
      %dma_start3A_56 = arith.constant 0 : i32
      %dma_start3A_57 = tpu.memref_slice %arg4[%add3A_50, %dma_start3A_56] : memref<5532x256xf32, #tpu.memory_space<hbm>> -> memref<96x256xf32, #tpu.memory_space<hbm>>
      %dma_start3A_58 = arith.constant 96 : i32
      %dma_start3A_59 = arith.constant 0 : i32
      %dma_start3A_60 = tpu.memref_slice %arg7[%dma_start3A_58, %dma_start3A_59] : memref<192x256xf32, #tpu.memory_space<vmem>> -> memref<96x256xf32, #tpu.memory_space<vmem>>
      tpu.enqueue_dma source(%dma_start3A_60 : memref<96x256xf32, #tpu.memory_space<vmem>>) target(%dma_start3A_57 : memref<96x256xf32, #tpu.memory_space<hbm>>) target_semaphore(%arg8 : memref<!tpu.dma_semaphore, #tpu.memory_space<semaphore_mem>>)
      %dma_wait3A_61 = arith.constant 0 : i32
      %dma_wait3A_62 = arith.constant 0 : i32
      %dma_wait3A_63 = tpu.memref_slice %arg7[%dma_wait3A_61, %dma_wait3A_62] : memref<192x256xf32, #tpu.memory_space<vmem>> -> memref<96x256xf32, #tpu.memory_space<vmem>>
      %dma_wait3A_64 = arith.constant 0 : i32
      %dma_wait3A_65 = tpu.memref_slice %arg4[%mul3A_2, %dma_wait3A_64] : memref<5532x256xf32, #tpu.memory_space<hbm>> -> memref<96x256xf32, #tpu.memory_space<hbm>>
      %dma_wait3A_66 = arith.constant 0 : i32
      %dma_wait3A_67 = tpu.memref_slice %arg4[%mul3A_2, %dma_wait3A_66] : memref<5532x256xf32, #tpu.memory_space<hbm>> -> memref<96x256xf32, #tpu.memory_space<hbm>>
      %dma_wait3A_68 = arith.constant 0 : i32
      %dma_wait3A_69 = arith.constant 0 : i32
      %dma_wait3A_70 = tpu.memref_slice %arg7[%dma_wait3A_68, %dma_wait3A_69] : memref<192x256xf32, #tpu.memory_space<vmem>> -> memref<96x256xf32, #tpu.memory_space<vmem>>
      tpu.wait_dma2 semaphore(%arg8 : memref<!tpu.dma_semaphore, #tpu.memory_space<semaphore_mem>>) src(%dma_wait3A_70 : memref<96x256xf32, #tpu.memory_space<vmem>>) dst(%dma_wait3A_67 : memref<96x256xf32, #tpu.memory_space<hbm>>)
      %dma_wait3A_71 = arith.constant 96 : i32
      %dma_wait3A_72 = arith.constant 0 : i32
      %dma_wait3A_73 = tpu.memref_slice %arg7[%dma_wait3A_71, %dma_wait3A_72] : memref<192x256xf32, #tpu.memory_space<vmem>> -> memref<96x256xf32, #tpu.memory_space<vmem>>
      %dma_wait3A_74 = arith.constant 0 : i32
      %dma_wait3A_75 = tpu.memref_slice %arg4[%add3A_50, %dma_wait3A_74] : memref<5532x256xf32, #tpu.memory_space<hbm>> -> memref<96x256xf32, #tpu.memory_space<hbm>>
      %dma_wait3A_76 = arith.constant 0 : i32
      %dma_wait3A_77 = tpu.memref_slice %arg4[%add3A_50, %dma_wait3A_76] : memref<5532x256xf32, #tpu.memory_space<hbm>> -> memref<96x256xf32, #tpu.memory_space<hbm>>
      %dma_wait3A_78 = arith.constant 96 : i32
      %dma_wait3A_79 = arith.constant 0 : i32
      %dma_wait3A_80 = tpu.memref_slice %arg7[%dma_wait3A_78, %dma_wait3A_79] : memref<192x256xf32, #tpu.memory_space<vmem>> -> memref<96x256xf32, #tpu.memory_space<vmem>>
      tpu.wait_dma2 semaphore(%arg8 : memref<!tpu.dma_semaphore, #tpu.memory_space<semaphore_mem>>) src(%dma_wait3A_80 : memref<96x256xf32, #tpu.memory_space<vmem>>) dst(%dma_wait3A_77 : memref<96x256xf32, #tpu.memory_space<hbm>>)
    } else {
    }
    %eq3A = arith.constant 28 : i32
    %eq3A_5 = arith.cmpi eq, %add3A, %eq3A : i32
    %convert_element_type3A_6 = arith.extui %eq3A_5 : i1 to i32
    %cond3A_7 = arith.constant 0 : i32
    %cond3A_8 = arith.cmpi ne, %convert_element_type3A_6, %cond3A_7 : i32
    scf.if %cond3A_8 {
      "tpu.region"() ({
        %run_scoped3A = tpu.sem_alloc : memref<!tpu.dma_semaphore, #tpu.memory_space<semaphore_mem>>
        %dma_start3A_59 = arith.constant 0 : i32
        %dma_start3A_60 = tpu.memref_slice %arg5[%dma_start3A_59] : memref<192xi32, #tpu.memory_space<vmem>> -> memref<160xi32, #tpu.memory_space<vmem>>
        %dma_start3A_61 = arith.constant 5376 : i32
        %dma_start3A_62 = tpu.memref_slice %arg3[%dma_start3A_61] : memref<6144xi32, #tpu.memory_space<hbm>> -> memref<160xi32, #tpu.memory_space<hbm>>
        %dma_start3A_63 = arith.constant 0 : i32
        %dma_start3A_64 = tpu.memref_slice %arg5[%dma_start3A_63] : memref<192xi32, #tpu.memory_space<vmem>> -> memref<160xi32, #tpu.memory_space<vmem>>
        %dma_start3A_65 = arith.constant 5376 : i32
        %dma_start3A_66 = tpu.memref_slice %arg3[%dma_start3A_65] : memref<6144xi32, #tpu.memory_space<hbm>> -> memref<160xi32, #tpu.memory_space<hbm>>
        tpu.enqueue_dma source(%dma_start3A_66 : memref<160xi32, #tpu.memory_space<hbm>>) target(%dma_start3A_64 : memref<160xi32, #tpu.memory_space<vmem>>) target_semaphore(%run_scoped3A : memref<!tpu.dma_semaphore, #tpu.memory_space<semaphore_mem>>)
        %dma_wait3A_67 = arith.constant 0 : i32
        %dma_wait3A_68 = tpu.memref_slice %arg5[%dma_wait3A_67] : memref<192xi32, #tpu.memory_space<vmem>> -> memref<160xi32, #tpu.memory_space<vmem>>
        %dma_wait3A_69 = arith.constant 5376 : i32
        %dma_wait3A_70 = tpu.memref_slice %arg3[%dma_wait3A_69] : memref<6144xi32, #tpu.memory_space<hbm>> -> memref<160xi32, #tpu.memory_space<hbm>>
        %dma_wait3A_71 = arith.constant 0 : i32
        %dma_wait3A_72 = tpu.memref_slice %arg5[%dma_wait3A_71] : memref<192xi32, #tpu.memory_space<vmem>> -> memref<160xi32, #tpu.memory_space<vmem>>
        %dma_wait3A_73 = arith.constant 5376 : i32
        %dma_wait3A_74 = tpu.memref_slice %arg3[%dma_wait3A_73] : memref<6144xi32, #tpu.memory_space<hbm>> -> memref<160xi32, #tpu.memory_space<hbm>>
        tpu.wait_dma2 semaphore(%run_scoped3A : memref<!tpu.dma_semaphore, #tpu.memory_space<semaphore_mem>>) src(%dma_wait3A_74 : memref<160xi32, #tpu.memory_space<hbm>>) dst(%dma_wait3A_72 : memref<160xi32, #tpu.memory_space<vmem>>)
        tpu.yield
      }) : () -> ()
      %dma_start3A = arith.constant 0 : i32
      %dma_start3A_9 = arith.constant 0 : i32
      %dma_start3A_10 = tpu.memref_slice %arg7[%dma_start3A, %dma_start3A_9] : memref<192x256xf32, #tpu.memory_space<vmem>> -> memref<96x256xf32, #tpu.memory_space<vmem>>
      %dma_start3A_11 = arith.constant 0 : i32
      %dma_start3A_12 = tpu.memref_slice %arg5[%dma_start3A_11] : memref<192xi32, #tpu.memory_space<vmem>> -> memref<96xi32, #tpu.memory_space<vmem>>
      %dma_start3A_13 = arith.constant 0 : i32
      %dma_start3A_14 = arith.constant 0 : i32
      %dma_start3A_15 = tpu.memref_slice %arg2[%dma_start3A_13, %dma_start3A_14] : memref<6044x256xf32, #tpu.memory_space<hbm>> -> memref<6044x256xf32, #tpu.memory_space<hbm>>
      tpu.enqueue_indirect_dma source(%dma_start3A_15 : memref<6044x256xf32, #tpu.memory_space<hbm>>) target(%dma_start3A_10 : memref<96x256xf32, #tpu.memory_space<vmem>>) offsets(%dma_start3A_12 : memref<96xi32, #tpu.memory_space<vmem>>) semaphore(%arg8 : memref<!tpu.dma_semaphore, #tpu.memory_space<semaphore_mem>>)
      %dma_start3A_16 = arith.constant 96 : i32
      %dma_start3A_17 = arith.constant 0 : i32
      %dma_start3A_18 = tpu.memref_slice %arg7[%dma_start3A_16, %dma_start3A_17] : memref<192x256xf32, #tpu.memory_space<vmem>> -> memref<64x256xf32, #tpu.memory_space<vmem>>
      %dma_start3A_19 = arith.constant 96 : i32
      %dma_start3A_20 = tpu.memref_slice %arg5[%dma_start3A_19] : memref<192xi32, #tpu.memory_space<vmem>> -> memref<64xi32, #tpu.memory_space<vmem>>
      %dma_start3A_21 = arith.constant 0 : i32
      %dma_start3A_22 = arith.constant 0 : i32
      %dma_start3A_23 = tpu.memref_slice %arg2[%dma_start3A_21, %dma_start3A_22] : memref<6044x256xf32, #tpu.memory_space<hbm>> -> memref<6044x256xf32, #tpu.memory_space<hbm>>
      tpu.enqueue_indirect_dma source(%dma_start3A_23 : memref<6044x256xf32, #tpu.memory_space<hbm>>) target(%dma_start3A_18 : memref<64x256xf32, #tpu.memory_space<vmem>>) offsets(%dma_start3A_20 : memref<64xi32, #tpu.memory_space<vmem>>) semaphore(%arg8 : memref<!tpu.dma_semaphore, #tpu.memory_space<semaphore_mem>>)
      %dma_wait3A = arith.constant 0 : i32
      %dma_wait3A_24 = arith.constant 0 : i32
      %dma_wait3A_25 = tpu.memref_slice %arg7[%dma_wait3A, %dma_wait3A_24] : memref<192x256xf32, #tpu.memory_space<vmem>> -> memref<96x256xf32, #tpu.memory_space<vmem>>
      %dma_wait3A_26 = arith.constant 0 : i32
      %dma_wait3A_27 = tpu.memref_slice %arg5[%dma_wait3A_26] : memref<192xi32, #tpu.memory_space<vmem>> -> memref<96xi32, #tpu.memory_space<vmem>>
      %dma_wait3A_28 = arith.constant 0 : i32
      %dma_wait3A_29 = arith.constant 0 : i32
      %dma_wait3A_30 = tpu.memref_slice %arg2[%dma_wait3A_28, %dma_wait3A_29] : memref<6044x256xf32, #tpu.memory_space<hbm>> -> memref<6044x256xf32, #tpu.memory_space<hbm>>
      tpu.wait_indirect_dma semaphore(%arg8 : memref<!tpu.dma_semaphore, #tpu.memory_space<semaphore_mem>>) src(%dma_wait3A_30 : memref<6044x256xf32, #tpu.memory_space<hbm>>) dst(%dma_wait3A_25 : memref<96x256xf32, #tpu.memory_space<vmem>>)
      %dma_wait3A_31 = arith.constant 96 : i32
      %dma_wait3A_32 = arith.constant 0 : i32
      %dma_wait3A_33 = tpu.memref_slice %arg7[%dma_wait3A_31, %dma_wait3A_32] : memref<192x256xf32, #tpu.memory_space<vmem>> -> memref<64x256xf32, #tpu.memory_space<vmem>>
      %dma_wait3A_34 = arith.constant 96 : i32
      %dma_wait3A_35 = tpu.memref_slice %arg5[%dma_wait3A_34] : memref<192xi32, #tpu.memory_space<vmem>> -> memref<64xi32, #tpu.memory_space<vmem>>
      %dma_wait3A_36 = arith.constant 0 : i32
      %dma_wait3A_37 = arith.constant 0 : i32
      %dma_wait3A_38 = tpu.memref_slice %arg2[%dma_wait3A_36, %dma_wait3A_37] : memref<6044x256xf32, #tpu.memory_space<hbm>> -> memref<6044x256xf32, #tpu.memory_space<hbm>>
      tpu.wait_indirect_dma semaphore(%arg8 : memref<!tpu.dma_semaphore, #tpu.memory_space<semaphore_mem>>) src(%dma_wait3A_38 : memref<6044x256xf32, #tpu.memory_space<hbm>>) dst(%dma_wait3A_33 : memref<64x256xf32, #tpu.memory_space<vmem>>)
      "tpu.region"() ({
        %run_scoped3A = tpu.sem_alloc : memref<!tpu.dma_semaphore, #tpu.memory_space<semaphore_mem>>
        %dma_start3A_59 = arith.constant 0 : i32
        %dma_start3A_60 = arith.constant 0 : i32
        %dma_start3A_61 = tpu.memref_slice %arg7[%dma_start3A_59, %dma_start3A_60] : memref<192x256xf32, #tpu.memory_space<vmem>> -> memref<152x256xf32, #tpu.memory_space<vmem>>
        %dma_start3A_62 = arith.constant 5376 : i32
        %dma_start3A_63 = arith.constant 0 : i32
        %dma_start3A_64 = tpu.memref_slice %arg4[%dma_start3A_62, %dma_start3A_63] : memref<5532x256xf32, #tpu.memory_space<hbm>> -> memref<152x256xf32, #tpu.memory_space<hbm>>
        %dma_start3A_65 = arith.constant 5376 : i32
        %dma_start3A_66 = arith.constant 0 : i32
        %dma_start3A_67 = tpu.memref_slice %arg4[%dma_start3A_65, %dma_start3A_66] : memref<5532x256xf32, #tpu.memory_space<hbm>> -> memref<152x256xf32, #tpu.memory_space<hbm>>
        %dma_start3A_68 = arith.constant 0 : i32
        %dma_start3A_69 = arith.constant 0 : i32
        %dma_start3A_70 = tpu.memref_slice %arg7[%dma_start3A_68, %dma_start3A_69] : memref<192x256xf32, #tpu.memory_space<vmem>> -> memref<152x256xf32, #tpu.memory_space<vmem>>
        tpu.enqueue_dma source(%dma_start3A_70 : memref<152x256xf32, #tpu.memory_space<vmem>>) target(%dma_start3A_67 : memref<152x256xf32, #tpu.memory_space<hbm>>) target_semaphore(%run_scoped3A : memref<!tpu.dma_semaphore, #tpu.memory_space<semaphore_mem>>)
        %dma_wait3A_71 = arith.constant 0 : i32
        %dma_wait3A_72 = arith.constant 0 : i32
        %dma_wait3A_73 = tpu.memref_slice %arg7[%dma_wait3A_71, %dma_wait3A_72] : memref<192x256xf32, #tpu.memory_space<vmem>> -> memref<152x256xf32, #tpu.memory_space<vmem>>
        %dma_wait3A_74 = arith.constant 5376 : i32
        %dma_wait3A_75 = arith.constant 0 : i32
        %dma_wait3A_76 = tpu.memref_slice %arg4[%dma_wait3A_74, %dma_wait3A_75] : memref<5532x256xf32, #tpu.memory_space<hbm>> -> memref<152x256xf32, #tpu.memory_space<hbm>>
        %dma_wait3A_77 = arith.constant 5376 : i32
        %dma_wait3A_78 = arith.constant 0 : i32
        %dma_wait3A_79 = tpu.memref_slice %arg4[%dma_wait3A_77, %dma_wait3A_78] : memref<5532x256xf32, #tpu.memory_space<hbm>> -> memref<152x256xf32, #tpu.memory_space<hbm>>
        %dma_wait3A_80 = arith.constant 0 : i32
        %dma_wait3A_81 = arith.constant 0 : i32
        %dma_wait3A_82 = tpu.memref_slice %arg7[%dma_wait3A_80, %dma_wait3A_81] : memref<192x256xf32, #tpu.memory_space<vmem>> -> memref<152x256xf32, #tpu.memory_space<vmem>>
        tpu.wait_dma2 semaphore(%run_scoped3A : memref<!tpu.dma_semaphore, #tpu.memory_space<semaphore_mem>>) src(%dma_wait3A_82 : memref<152x256xf32, #tpu.memory_space<vmem>>) dst(%dma_wait3A_79 : memref<152x256xf32, #tpu.memory_space<hbm>>)
        tpu.yield
      }) : () -> ()
      %iota3A = tpu.iota {dimensions = array<i32: 0>} : vector<16xi32>
      %add3A_39 = arith.constant 5520 : i32
      %add3A_40 = vector.broadcast %add3A_39 : i32 to vector<16xi32>
      %add3A_41 = arith.addi %add3A_40, %iota3A : vector<16xi32>
      %min3A = arith.constant 5531 : i32
      %min3A_42 = vector.broadcast %min3A : i32 to vector<16xi32>
      %min3A_43 = arith.minsi %add3A_41, %min3A_42 : vector<16xi32>
      %swap3A = arith.constant 0 : index
      %swap3A_44 = tpu.vector_load %arg6[%swap3A] {strides = array<i32>} : memref<16xi32, #tpu.memory_space<vmem>>, vector<16xi32>,
      %swap3A_45 = vector.shape_cast %swap3A_44 : vector<16xi32> to vector<16xi32>
      %swap3A_46 = vector.shape_cast %min3A_43 : vector<16xi32> to vector<16xi32>
      tpu.vector_store %arg6[%swap3A], %swap3A_46 {strides = array<i32>} : memref<16xi32, #tpu.memory_space<vmem>>, vector<16xi32>,
      %dma_start3A_47 = arith.constant 144 : i32
      %dma_start3A_48 = arith.constant 0 : i32
      %dma_start3A_49 = tpu.memref_slice %arg7[%dma_start3A_47, %dma_start3A_48] : memref<192x256xf32, #tpu.memory_space<vmem>> -> memref<16x256xf32, #tpu.memory_space<vmem>>
      %dma_start3A_50 = arith.constant 0 : i32
      %dma_start3A_51 = arith.constant 0 : i32
      %dma_start3A_52 = tpu.memref_slice %arg4[%dma_start3A_50, %dma_start3A_51] : memref<5532x256xf32, #tpu.memory_space<hbm>> -> memref<5532x256xf32, #tpu.memory_space<hbm>>
      tpu.enqueue_indirect_dma source(%dma_start3A_49 : memref<16x256xf32, #tpu.memory_space<vmem>>) target(%dma_start3A_52 : memref<5532x256xf32, #tpu.memory_space<hbm>>) offsets(%arg6 : memref<16xi32, #tpu.memory_space<vmem>>) semaphore(%arg8 : memref<!tpu.dma_semaphore, #tpu.memory_space<semaphore_mem>>)
      %dma_wait3A_53 = arith.constant 144 : i32
      %dma_wait3A_54 = arith.constant 0 : i32
      %dma_wait3A_55 = tpu.memref_slice %arg7[%dma_wait3A_53, %dma_wait3A_54] : memref<192x256xf32, #tpu.memory_space<vmem>> -> memref<16x256xf32, #tpu.memory_space<vmem>>
      %dma_wait3A_56 = arith.constant 0 : i32
      %dma_wait3A_57 = arith.constant 0 : i32
      %dma_wait3A_58 = tpu.memref_slice %arg4[%dma_wait3A_56, %dma_wait3A_57] : memref<5532x256xf32, #tpu.memory_space<hbm>> -> memref<5532x256xf32, #tpu.memory_space<hbm>>
      tpu.wait_indirect_dma semaphore(%arg8 : memref<!tpu.dma_semaphore, #tpu.memory_space<semaphore_mem>>) src(%dma_wait3A_55 : memref<16x256xf32, #tpu.memory_space<vmem>>) dst(%dma_wait3A_58 : memref<5532x256xf32, #tpu.memory_space<hbm>>)
    } else {
    }
    return
  }
}

module attributes {stable_mosaic.version = 14 : i64} {
  func.func @_tc_body(%arg0: i32, %arg1: memref<1x1xi32, #tpu.memory_space<smem>>, %arg2: memref<1024x256xf32, #tpu.memory_space<vmem>>, %arg3: memref<1024x1xi32, #tpu.memory_space<vmem>>, %arg4: memref<1x1x512xi32, #tpu.memory_space<vmem>>, %arg5: memref<2048x256xf32, #tpu.memory_space<vmem>>, %arg6: memref<2048x256xf32, #tpu.memory_space<vmem>>, %arg7: memref<1x1xf32, #tpu.memory_space<smem>>, %arg8: memref<512x256xf32, #tpu.memory_space<vmem>>, %arg9: memref<2048x1xi32, #tpu.memory_space<vmem>>, %arg10: memref<1024x1xf32, #tpu.memory_space<vmem>>, %arg11: memref<1024x1xf32, #tpu.memory_space<vmem>>, %arg12: memref<1024x1xf32, #tpu.memory_space<vmem>>) attributes {dimension_semantics = [#tpu.dimension_semantics<arbitrary>], iteration_bounds = array<i64: 3>, scalar_prefetch = 0 : i64, scratch_operands = 3 : i64, tpu.core_type = #tpu.core_type<tc>, window_params = [{transform_indices = @transform_0, window_bounds = array<i64: 1, 1>}, {pipeline_mode = #tpu.pipeline_mode<synchronous>, transform_indices = @transform_1, window_bounds = array<i64: 1024, 256>}, {pipeline_mode = #tpu.pipeline_mode<synchronous>, transform_indices = @transform_2, window_bounds = array<i64: 1024, 1>}, {pipeline_mode = #tpu.pipeline_mode<synchronous>, transform_indices = @transform_3, window_bounds = array<i64: 1, 1, 512>}, {transform_indices = @transform_4, window_bounds = array<i64: 2048, 256>}, {transform_indices = @transform_5, window_bounds = array<i64: 2048, 256>}, {transform_indices = @transform_6, window_bounds = array<i64: 1, 1>}, {pipeline_mode = #tpu.pipeline_mode<synchronous>, transform_indices = @transform_7, window_bounds = array<i64: 512, 256>}, {transform_indices = @transform_8, window_bounds = array<i64: 2048, 1>}]} {
    %eq3A = arith.constant 0 : i32
    %eq3A_0 = arith.cmpi eq, %arg0, %eq3A : i32
    %convert_element_type3A = arith.extui %eq3A_0 : i1 to i32
    %cond3A = arith.constant 0 : i32
    %cond3A_1 = arith.cmpi ne, %convert_element_type3A, %cond3A : i32
    scf.if %cond3A_1 {
      %broadcast_in_dim3A_70 = arith.constant -1.000000e+30 : f32
      %broadcast_in_dim3A_71 = vector.broadcast %broadcast_in_dim3A_70 : f32 to vector<1024x1xf32>
      %swap3A_72 = arith.constant 0 : index
      %swap3A_73 = arith.constant 0 : index
      %swap3A_74 = vector.load %arg10[%swap3A_72, %swap3A_73] : memref<1024x1xf32, #tpu.memory_space<vmem>>, vector<1024x1xf32>
      tpu.vector_store %arg10[%swap3A_72, %swap3A_73], %broadcast_in_dim3A_71 {strides = array<i32>} : memref<1024x1xf32, #tpu.memory_space<vmem>>, vector<1024x1xf32>,
      %broadcast_in_dim3A_75 = arith.constant 0.000000e+00 : f32
      %broadcast_in_dim3A_76 = vector.broadcast %broadcast_in_dim3A_75 : f32 to vector<1024x1xf32>
      %swap3A_77 = arith.constant 0 : index
      %swap3A_78 = arith.constant 0 : index
      %swap3A_79 = vector.load %arg11[%swap3A_77, %swap3A_78] : memref<1024x1xf32, #tpu.memory_space<vmem>>, vector<1024x1xf32>
      tpu.vector_store %arg11[%swap3A_77, %swap3A_78], %broadcast_in_dim3A_76 {strides = array<i32>} : memref<1024x1xf32, #tpu.memory_space<vmem>>, vector<1024x1xf32>,
      %broadcast_in_dim3A_80 = arith.constant 0.000000e+00 : f32
      %broadcast_in_dim3A_81 = vector.broadcast %broadcast_in_dim3A_80 : f32 to vector<1024x1xf32>
      %swap3A_82 = arith.constant 0 : index
      %swap3A_83 = arith.constant 0 : index
      %swap3A_84 = vector.load %arg12[%swap3A_82, %swap3A_83] : memref<1024x1xf32, #tpu.memory_space<vmem>>, vector<1024x1xf32>
      tpu.vector_store %arg12[%swap3A_82, %swap3A_83], %broadcast_in_dim3A_81 {strides = array<i32>} : memref<1024x1xf32, #tpu.memory_space<vmem>>, vector<1024x1xf32>,
      %get3A_85 = arith.constant 0 : index
      %get3A_86 = arith.constant 0 : index
      %get3A_87 = vector.load %arg2[%get3A_85, %get3A_86] : memref<1024x256xf32, #tpu.memory_space<vmem>>, vector<512x256xf32>
      %mul3A_88 = arith.mulf %get3A_87, %get3A_87 : vector<512x256xf32>
      %reduce_sum3A = arith.constant dense<0.000000e+00> : vector<512xf32>
      %reduce_sum3A_89 = vector.multi_reduction <add>, %mul3A_88, %reduce_sum3A [1] : vector<512x256xf32> to vector<512xf32>
      %broadcast_in_dim3A_90 = vector.shape_cast %reduce_sum3A_89 : vector<512xf32> to vector<512x1xf32>
      %sqrt3A = math.sqrt %broadcast_in_dim3A_90 : vector<512x1xf32>
      %max3A = arith.constant 9.99999996E-13 : f32
      %max3A_91 = vector.broadcast %max3A : f32 to vector<512x1xf32>
      %max3A_92 = arith.maximumf %sqrt3A, %max3A_91 : vector<512x1xf32>
      %div3A = vector.broadcast %max3A_92 : vector<512x1xf32> to vector<512x256xf32>
      %div3A_93 = arith.divf %get3A_87, %div3A : vector<512x256xf32>
      %swap3A_94 = arith.constant 0 : index
      %swap3A_95 = arith.constant 0 : index
      %swap3A_96 = vector.load %arg8[%swap3A_94, %swap3A_95] : memref<512x256xf32, #tpu.memory_space<vmem>>, vector<512x256xf32>
      tpu.vector_store %arg8[%swap3A_94, %swap3A_95], %div3A_93 {strides = array<i32>} : memref<512x256xf32, #tpu.memory_space<vmem>>, vector<512x256xf32>,
    } else {
    }
    %get3A = arith.constant 0 : index
    %get3A_2 = arith.constant 0 : index
    %get3A_3 = memref.load %arg1[%get3A, %get3A_2] : memref<1x1xi32, #tpu.memory_space<smem>>
    %get3A_4 = arith.constant 0 : index
    %get3A_5 = arith.constant 0 : index
    %get3A_6 = arith.constant 0 : index
    %get3A_7 = vector.load %arg4[%get3A_4, %get3A_5, %get3A_6] : memref<1x1x512xi32, #tpu.memory_space<vmem>>, vector<1x1x512xi32>
    %get3A_8 = vector.shape_cast %get3A_7 : vector<1x1x512xi32> to vector<1x512xi32>
    %iota3A = tpu.iota {dimensions = array<i32: 1>} : vector<1x512xi32>
    %lt3A = vector.broadcast %get3A_3 : i32 to vector<1x512xi32>
    %lt3A_9 = arith.cmpi slt, %iota3A, %lt3A : vector<1x512xi32>
    %ge3A = arith.constant 0 : i32
    %ge3A_10 = vector.broadcast %ge3A : i32 to vector<1x512xi32>
    %ge3A_11 = arith.cmpi sge, %get3A_8, %ge3A_10 : vector<1x512xi32>
    %and3A = arith.andi %lt3A_9, %ge3A_11 : vector<1x512xi1>
    %lt3A_12 = arith.constant 5532 : i32
    %lt3A_13 = vector.broadcast %lt3A_12 : i32 to vector<1x512xi32>
    %lt3A_14 = arith.cmpi slt, %get3A_8, %lt3A_13 : vector<1x512xi32>
    %and3A_15 = arith.andi %and3A, %lt3A_14 : vector<1x512xi1>
    %iota3A_16 = tpu.iota {dimensions = array<i32: 0>} : vector<2048x1xi32>
    %mul3A = arith.constant 2048 : i32
    %mul3A_17 = arith.muli %arg0, %mul3A : i32
    %add3A = vector.broadcast %mul3A_17 : i32 to vector<2048x1xi32>
    %add3A_18 = arith.addi %iota3A_16, %add3A : vector<2048x1xi32>
    %min3A = arith.constant 5531 : i32
    %min3A_19 = vector.broadcast %min3A : i32 to vector<2048x1xi32>
    %min3A_20 = arith.minsi %add3A_18, %min3A_19 : vector<2048x1xi32>
    %eq3A_21 = vector.broadcast %min3A_20 : vector<2048x1xi32> to vector<2048x512xi32>
    %eq3A_22 = vector.broadcast %get3A_8 : vector<1x512xi32> to vector<2048x512xi32>
    %eq3A_23 = arith.cmpi eq, %eq3A_21, %eq3A_22 : vector<2048x512xi32>
    %and3A_24 = vector.broadcast %and3A_15 : vector<1x512xi1> to vector<2048x512xi1>
    %and3A_25 = arith.andi %eq3A_23, %and3A_24 : vector<2048x512xi1>
    %iota3A_26 = tpu.iota {dimensions = array<i32: 1>} : vector<2048x512xi32>
    %jit3A = arith.constant -1 : i32
    %broadcast_in_dim3A = vector.broadcast %jit3A : i32 to vector<2048x512xi32>
    %select_n3A = arith.select %and3A_25, %iota3A_26, %broadcast_in_dim3A : vector<2048x512xi1>, vector<2048x512xi32>
    %reduce_max3A = arith.constant dense<-2147483648> : vector<2048xi32>
    %reduce_max3A_27 = vector.multi_reduction <maxsi>, %select_n3A, %reduce_max3A [1] : vector<2048x512xi32> to vector<2048xi32>
    %broadcast_in_dim3A_28 = vector.shape_cast %reduce_max3A_27 : vector<2048xi32> to vector<2048x1xi32>
    %ge3A_29 = arith.constant 0 : i32
    %ge3A_30 = vector.broadcast %ge3A_29 : i32 to vector<2048x1xi32>
    %ge3A_31 = arith.cmpi sge, %broadcast_in_dim3A_28, %ge3A_30 : vector<2048x1xi32>
    %add3A_32 = arith.constant 512 : i32
    %add3A_33 = vector.broadcast %add3A_32 : i32 to vector<2048x1xi32>
    %add3A_34 = arith.addi %add3A_33, %min3A_20 : vector<2048x1xi32>
    %select_n3A_35 = arith.select %ge3A_31, %broadcast_in_dim3A_28, %add3A_34 : vector<2048x1xi1>, vector<2048x1xi32>
    %swap3A = arith.constant 0 : index
    %swap3A_36 = arith.constant 0 : index
    %swap3A_37 = vector.load %arg9[%swap3A, %swap3A_36] : memref<2048x1xi32, #tpu.memory_space<vmem>>, vector<2048x1xi32>
    tpu.vector_store %arg9[%swap3A, %swap3A_36], %select_n3A_35 {strides = array<i32>} : memref<2048x1xi32, #tpu.memory_space<vmem>>, vector<2048x1xi32>,
    %get3A_38 = arith.constant 0 : index
    %get3A_39 = arith.constant 0 : index
    %get3A_40 = vector.load %arg2[%get3A_38, %get3A_39] : memref<1024x256xf32, #tpu.memory_space<vmem>>, vector<1024x256xf32>
    %get3A_41 = arith.constant 0 : index
    %get3A_42 = arith.constant 0 : index
    %get3A_43 = vector.load %arg5[%get3A_41, %get3A_42] : memref<2048x256xf32, #tpu.memory_space<vmem>>, vector<2048x256xf32>
    %dot_general3A = arith.constant dense<0.000000e+00> : vector<1024x2048xf32>
    %dot_general3A_44 = tpu.matmul %get3A_40, %get3A_43, %dot_general3A {dimension_numbers = #tpu.dot_dimension_numbers<[1], [1], [0], [0], [0, 0, 1, 0], [], []>, transpose_lhs_hint = false} : vector<1024x256xf32>, vector<2048x256xf32>, vector<1024x2048xf32> -> vector<1024x2048xf32>
    %convert_element_type3A_45 = arith.truncf %dot_general3A_44 : vector<1024x2048xf32> to vector<1024x2048xbf16>
    %get3A_46 = arith.constant 0 : index
    %get3A_47 = arith.constant 0 : index
    %get3A_48 = vector.load %arg2[%get3A_46, %get3A_47] : memref<1024x256xf32, #tpu.memory_space<vmem>>, vector<1024x256xf32>
    %get3A_49 = arith.constant 0 : index
    %get3A_50 = arith.constant 0 : index
    %get3A_51 = vector.load %arg6[%get3A_49, %get3A_50] : memref<2048x256xf32, #tpu.memory_space<vmem>>, vector<2048x256xf32>
    %dot_general3A_52 = arith.constant dense<0.000000e+00> : vector<1024x2048xf32>
    %dot_general3A_53 = tpu.matmul %get3A_48, %get3A_51, %dot_general3A_52 {dimension_numbers = #tpu.dot_dimension_numbers<[1], [1], [0], [0], [0, 0, 1, 0], [], []>, transpose_lhs_hint = false} : vector<1024x256xf32>, vector<2048x256xf32>, vector<1024x2048xf32> -> vector<1024x2048xf32>
    %convert_element_type3A_54 = arith.truncf %dot_general3A_53 : vector<1024x2048xf32> to vector<1024x2048xbf16>
    %lt3A_55 = arith.constant 2 : i32
    %lt3A_56 = arith.cmpi slt, %arg0, %lt3A_55 : i32
    %convert_element_type3A_57 = arith.extui %lt3A_56 : i1 to i32
    %cond3A_58 = arith.constant 0 : i32
    %cond3A_59 = arith.cmpi ne, %convert_element_type3A_57, %cond3A_58 : i32
    scf.if %cond3A_59 {
      %reduce_max3A_70 = arith.constant dense<0xFF80> : vector<1024xbf16>
      %reduce_max3A_71 = vector.multi_reduction <maximumf>, %convert_element_type3A_45, %reduce_max3A_70 [1] : vector<1024x2048xbf16> to vector<1024xbf16>
      %broadcast_in_dim3A_72 = vector.shape_cast %reduce_max3A_71 : vector<1024xbf16> to vector<1024x1xbf16>
      %convert_element_type3A_73 = arith.extf %broadcast_in_dim3A_72 : vector<1024x1xbf16> to vector<1024x1xf32>
      %get3A_74 = arith.constant 0 : index
      %get3A_75 = arith.constant 0 : index
      %get3A_76 = vector.load %arg10[%get3A_74, %get3A_75] : memref<1024x1xf32, #tpu.memory_space<vmem>>, vector<1024x1xf32>
      %max3A = arith.maximumf %get3A_76, %convert_element_type3A_73 : vector<1024x1xf32>
      %mul3A_77 = arith.constant 14.4269505 : f32
      %mul3A_78 = vector.broadcast %mul3A_77 : f32 to vector<1024x1xf32>
      %mul3A_79 = arith.mulf %mul3A_78, %max3A : vector<1024x1xf32>
      %convert_element_type3A_80 = arith.extf %convert_element_type3A_45 : vector<1024x2048xbf16> to vector<1024x2048xf32>
      %mul3A_81 = arith.constant 14.4269505 : f32
      %mul3A_82 = vector.broadcast %mul3A_81 : f32 to vector<1024x2048xf32>
      %mul3A_83 = arith.mulf %mul3A_82, %convert_element_type3A_80 : vector<1024x2048xf32>
      %sub3A = vector.broadcast %mul3A_79 : vector<1024x1xf32> to vector<1024x2048xf32>
      %sub3A_84 = arith.subf %mul3A_83, %sub3A : vector<1024x2048xf32>
      %exp23A = math.exp2 %sub3A_84 : vector<1024x2048xf32>
      %get3A_85 = arith.constant 0 : index
      %get3A_86 = arith.constant 0 : index
      %get3A_87 = vector.load %arg11[%get3A_85, %get3A_86] : memref<1024x1xf32, #tpu.memory_space<vmem>>, vector<1024x1xf32>
      %get3A_88 = arith.constant 0 : index
      %get3A_89 = arith.constant 0 : index
      %get3A_90 = vector.load %arg10[%get3A_88, %get3A_89] : memref<1024x1xf32, #tpu.memory_space<vmem>>, vector<1024x1xf32>
      %mul3A_91 = arith.constant 14.4269505 : f32
      %mul3A_92 = vector.broadcast %mul3A_91 : f32 to vector<1024x1xf32>
      %mul3A_93 = arith.mulf %mul3A_92, %get3A_90 : vector<1024x1xf32>
      %sub3A_94 = arith.subf %mul3A_93, %mul3A_79 : vector<1024x1xf32>
      %exp23A_95 = math.exp2 %sub3A_94 : vector<1024x1xf32>
      %mul3A_96 = arith.mulf %get3A_87, %exp23A_95 : vector<1024x1xf32>
      %reduce_sum3A = arith.constant dense<0.000000e+00> : vector<1024xf32>
      %reduce_sum3A_97 = vector.multi_reduction <add>, %exp23A, %reduce_sum3A [1] : vector<1024x2048xf32> to vector<1024xf32>
      %broadcast_in_dim3A_98 = vector.shape_cast %reduce_sum3A_97 : vector<1024xf32> to vector<1024x1xf32>
      %add3A_99 = arith.addf %mul3A_96, %broadcast_in_dim3A_98 : vector<1024x1xf32>
      %swap3A_100 = arith.constant 0 : index
      %swap3A_101 = arith.constant 0 : index
      %swap3A_102 = vector.load %arg11[%swap3A_100, %swap3A_101] : memref<1024x1xf32, #tpu.memory_space<vmem>>, vector<1024x1xf32>
      tpu.vector_store %arg11[%swap3A_100, %swap3A_101], %add3A_99 {strides = array<i32>} : memref<1024x1xf32, #tpu.memory_space<vmem>>, vector<1024x1xf32>,
      %swap3A_103 = arith.constant 0 : index
      %swap3A_104 = arith.constant 0 : index
      %swap3A_105 = vector.load %arg10[%swap3A_103, %swap3A_104] : memref<1024x1xf32, #tpu.memory_space<vmem>>, vector<1024x1xf32>
      tpu.vector_store %arg10[%swap3A_103, %swap3A_104], %max3A {strides = array<i32>} : memref<1024x1xf32, #tpu.memory_space<vmem>>, vector<1024x1xf32>,
      %get3A_106 = arith.constant 0 : index
      %get3A_107 = arith.constant 0 : index
      %get3A_108 = vector.load %arg3[%get3A_106, %get3A_107] : memref<1024x1xi32, #tpu.memory_space<vmem>>, vector<1024x1xi32>
      %mul3A_109 = arith.constant 2048 : i32
      %mul3A_110 = arith.muli %arg0, %mul3A_109 : i32
      %iota3A_111 = tpu.iota {dimensions = array<i32: 1>} : vector<1024x2048xi32>
      %add3A_112 = vector.broadcast %mul3A_110 : i32 to vector<1024x2048xi32>
      %add3A_113 = arith.addi %add3A_112, %iota3A_111 : vector<1024x2048xi32>
      %get3A_114 = arith.constant 0 : index
      %get3A_115 = arith.constant 0 : index
      %get3A_116 = vector.load %arg12[%get3A_114, %get3A_115] : memref<1024x1xf32, #tpu.memory_space<vmem>>, vector<1024x1xf32>
      %eq3A_117 = vector.broadcast %get3A_108 : vector<1024x1xi32> to vector<1024x2048xi32>
      %eq3A_118 = arith.cmpi eq, %add3A_113, %eq3A_117 : vector<1024x2048xi32>
      %convert_element_type3A_119 = arith.extf %convert_element_type3A_45 : vector<1024x2048xbf16> to vector<1024x2048xf32>
      %jit3A_120 = arith.constant 0.000000e+00 : f32
      %broadcast_in_dim3A_121 = vector.broadcast %jit3A_120 : f32 to vector<1024x2048xf32>
      %select_n3A_122 = arith.select %eq3A_118, %convert_element_type3A_119, %broadcast_in_dim3A_121 : vector<1024x2048xi1>, vector<1024x2048xf32>
      %reduce_sum3A_123 = arith.constant dense<0.000000e+00> : vector<1024xf32>
      %reduce_sum3A_124 = vector.multi_reduction <add>, %select_n3A_122, %reduce_sum3A_123 [1] : vector<1024x2048xf32> to vector<1024xf32>
      %broadcast_in_dim3A_125 = vector.shape_cast %reduce_sum3A_124 : vector<1024xf32> to vector<1024x1xf32>
      %add3A_126 = arith.addf %get3A_116, %broadcast_in_dim3A_125 : vector<1024x1xf32>
      %swap3A_127 = arith.constant 0 : index
      %swap3A_128 = arith.constant 0 : index
      %swap3A_129 = vector.load %arg12[%swap3A_127, %swap3A_128] : memref<1024x1xf32, #tpu.memory_space<vmem>>, vector<1024x1xf32>
      tpu.vector_store %arg12[%swap3A_127, %swap3A_128], %add3A_126 {strides = array<i32>} : memref<1024x1xf32, #tpu.memory_space<vmem>>, vector<1024x1xf32>,
      %reduce_max3A_130 = arith.constant dense<0xFF80> : vector<1024xbf16>
      %reduce_max3A_131 = vector.multi_reduction <maximumf>, %convert_element_type3A_54, %reduce_max3A_130 [1] : vector<1024x2048xbf16> to vector<1024xbf16>
      %broadcast_in_dim3A_132 = vector.shape_cast %reduce_max3A_131 : vector<1024xbf16> to vector<1024x1xbf16>
      %convert_element_type3A_133 = arith.extf %broadcast_in_dim3A_132 : vector<1024x1xbf16> to vector<1024x1xf32>
      %get3A_134 = arith.constant 0 : index
      %get3A_135 = arith.constant 0 : index
      %get3A_136 = vector.load %arg10[%get3A_134, %get3A_135] : memref<1024x1xf32, #tpu.memory_space<vmem>>, vector<1024x1xf32>
      %max3A_137 = arith.maximumf %get3A_136, %convert_element_type3A_133 : vector<1024x1xf32>
      %mul3A_138 = arith.constant 14.4269505 : f32
      %mul3A_139 = vector.broadcast %mul3A_138 : f32 to vector<1024x1xf32>
      %mul3A_140 = arith.mulf %mul3A_139, %max3A_137 : vector<1024x1xf32>
      %convert_element_type3A_141 = arith.extf %convert_element_type3A_54 : vector<1024x2048xbf16> to vector<1024x2048xf32>
      %mul3A_142 = arith.constant 14.4269505 : f32
      %mul3A_143 = vector.broadcast %mul3A_142 : f32 to vector<1024x2048xf32>
      %mul3A_144 = arith.mulf %mul3A_143, %convert_element_type3A_141 : vector<1024x2048xf32>
      %sub3A_145 = vector.broadcast %mul3A_140 : vector<1024x1xf32> to vector<1024x2048xf32>
      %sub3A_146 = arith.subf %mul3A_144, %sub3A_145 : vector<1024x2048xf32>
      %exp23A_147 = math.exp2 %sub3A_146 : vector<1024x2048xf32>
      %get3A_148 = arith.constant 0 : index
      %get3A_149 = arith.constant 0 : index
      %get3A_150 = vector.load %arg11[%get3A_148, %get3A_149] : memref<1024x1xf32, #tpu.memory_space<vmem>>, vector<1024x1xf32>
      %get3A_151 = arith.constant 0 : index
      %get3A_152 = arith.constant 0 : index
      %get3A_153 = vector.load %arg10[%get3A_151, %get3A_152] : memref<1024x1xf32, #tpu.memory_space<vmem>>, vector<1024x1xf32>
      %mul3A_154 = arith.constant 14.4269505 : f32
      %mul3A_155 = vector.broadcast %mul3A_154 : f32 to vector<1024x1xf32>
      %mul3A_156 = arith.mulf %mul3A_155, %get3A_153 : vector<1024x1xf32>
      %sub3A_157 = arith.subf %mul3A_156, %mul3A_140 : vector<1024x1xf32>
      %exp23A_158 = math.exp2 %sub3A_157 : vector<1024x1xf32>
      %mul3A_159 = arith.mulf %get3A_150, %exp23A_158 : vector<1024x1xf32>
      %reduce_sum3A_160 = arith.constant dense<0.000000e+00> : vector<1024xf32>
      %reduce_sum3A_161 = vector.multi_reduction <add>, %exp23A_147, %reduce_sum3A_160 [1] : vector<1024x2048xf32> to vector<1024xf32>
      %broadcast_in_dim3A_162 = vector.shape_cast %reduce_sum3A_161 : vector<1024xf32> to vector<1024x1xf32>
      %add3A_163 = arith.addf %mul3A_159, %broadcast_in_dim3A_162 : vector<1024x1xf32>
      %swap3A_164 = arith.constant 0 : index
      %swap3A_165 = arith.constant 0 : index
      %swap3A_166 = vector.load %arg11[%swap3A_164, %swap3A_165] : memref<1024x1xf32, #tpu.memory_space<vmem>>, vector<1024x1xf32>
      tpu.vector_store %arg11[%swap3A_164, %swap3A_165], %add3A_163 {strides = array<i32>} : memref<1024x1xf32, #tpu.memory_space<vmem>>, vector<1024x1xf32>,
      %swap3A_167 = arith.constant 0 : index
      %swap3A_168 = arith.constant 0 : index
      %swap3A_169 = vector.load %arg10[%swap3A_167, %swap3A_168] : memref<1024x1xf32, #tpu.memory_space<vmem>>, vector<1024x1xf32>
      tpu.vector_store %arg10[%swap3A_167, %swap3A_168], %max3A_137 {strides = array<i32>} : memref<1024x1xf32, #tpu.memory_space<vmem>>, vector<1024x1xf32>,
    } else {
    }
    %eq3A_60 = arith.constant 2 : i32
    %eq3A_61 = arith.cmpi eq, %arg0, %eq3A_60 : i32
    %convert_element_type3A_62 = arith.extui %eq3A_61 : i1 to i32
    %cond3A_63 = arith.constant 0 : i32
    %cond3A_64 = arith.cmpi ne, %convert_element_type3A_62, %cond3A_63 : i32
    scf.if %cond3A_64 {
      %iota3A_70 = tpu.iota {dimensions = array<i32: 1>} : vector<1024x2048xi32>
      %lt3A_71 = arith.constant 1436 : i32
      %lt3A_72 = vector.broadcast %lt3A_71 : i32 to vector<1024x2048xi32>
      %lt3A_73 = arith.cmpi slt, %iota3A_70, %lt3A_72 : vector<1024x2048xi32>
      %jit3A_74 = arith.constant -1.000260e+30 : bf16
      %broadcast_in_dim3A_75 = vector.broadcast %jit3A_74 : bf16 to vector<1024x2048xbf16>
      %select_n3A_76 = arith.select %lt3A_73, %convert_element_type3A_45, %broadcast_in_dim3A_75 : vector<1024x2048xi1>, vector<1024x2048xbf16>
      %reduce_max3A_77 = arith.constant dense<0xFF80> : vector<1024xbf16>
      %reduce_max3A_78 = vector.multi_reduction <maximumf>, %select_n3A_76, %reduce_max3A_77 [1] : vector<1024x2048xbf16> to vector<1024xbf16>
      %broadcast_in_dim3A_79 = vector.shape_cast %reduce_max3A_78 : vector<1024xbf16> to vector<1024x1xbf16>
      %convert_element_type3A_80 = arith.extf %broadcast_in_dim3A_79 : vector<1024x1xbf16> to vector<1024x1xf32>
      %get3A_81 = arith.constant 0 : index
      %get3A_82 = arith.constant 0 : index
      %get3A_83 = vector.load %arg10[%get3A_81, %get3A_82] : memref<1024x1xf32, #tpu.memory_space<vmem>>, vector<1024x1xf32>
      %max3A = arith.maximumf %get3A_83, %convert_element_type3A_80 : vector<1024x1xf32>
      %mul3A_84 = arith.constant 14.4269505 : f32
      %mul3A_85 = vector.broadcast %mul3A_84 : f32 to vector<1024x1xf32>
      %mul3A_86 = arith.mulf %mul3A_85, %max3A : vector<1024x1xf32>
      %convert_element_type3A_87 = arith.extf %select_n3A_76 : vector<1024x2048xbf16> to vector<1024x2048xf32>
      %mul3A_88 = arith.constant 14.4269505 : f32
      %mul3A_89 = vector.broadcast %mul3A_88 : f32 to vector<1024x2048xf32>
      %mul3A_90 = arith.mulf %mul3A_89, %convert_element_type3A_87 : vector<1024x2048xf32>
      %sub3A = vector.broadcast %mul3A_86 : vector<1024x1xf32> to vector<1024x2048xf32>
      %sub3A_91 = arith.subf %mul3A_90, %sub3A : vector<1024x2048xf32>
      %exp23A = math.exp2 %sub3A_91 : vector<1024x2048xf32>
      %get3A_92 = arith.constant 0 : index
      %get3A_93 = arith.constant 0 : index
      %get3A_94 = vector.load %arg11[%get3A_92, %get3A_93] : memref<1024x1xf32, #tpu.memory_space<vmem>>, vector<1024x1xf32>
      %get3A_95 = arith.constant 0 : index
      %get3A_96 = arith.constant 0 : index
      %get3A_97 = vector.load %arg10[%get3A_95, %get3A_96] : memref<1024x1xf32, #tpu.memory_space<vmem>>, vector<1024x1xf32>
      %mul3A_98 = arith.constant 14.4269505 : f32
      %mul3A_99 = vector.broadcast %mul3A_98 : f32 to vector<1024x1xf32>
      %mul3A_100 = arith.mulf %mul3A_99, %get3A_97 : vector<1024x1xf32>
      %sub3A_101 = arith.subf %mul3A_100, %mul3A_86 : vector<1024x1xf32>
      %exp23A_102 = math.exp2 %sub3A_101 : vector<1024x1xf32>
      %mul3A_103 = arith.mulf %get3A_94, %exp23A_102 : vector<1024x1xf32>
      %reduce_sum3A = arith.constant dense<0.000000e+00> : vector<1024xf32>
      %reduce_sum3A_104 = vector.multi_reduction <add>, %exp23A, %reduce_sum3A [1] : vector<1024x2048xf32> to vector<1024xf32>
      %broadcast_in_dim3A_105 = vector.shape_cast %reduce_sum3A_104 : vector<1024xf32> to vector<1024x1xf32>
      %add3A_106 = arith.addf %mul3A_103, %broadcast_in_dim3A_105 : vector<1024x1xf32>
      %swap3A_107 = arith.constant 0 : index
      %swap3A_108 = arith.constant 0 : index
      %swap3A_109 = vector.load %arg11[%swap3A_107, %swap3A_108] : memref<1024x1xf32, #tpu.memory_space<vmem>>, vector<1024x1xf32>
      tpu.vector_store %arg11[%swap3A_107, %swap3A_108], %add3A_106 {strides = array<i32>} : memref<1024x1xf32, #tpu.memory_space<vmem>>, vector<1024x1xf32>,
      %swap3A_110 = arith.constant 0 : index
      %swap3A_111 = arith.constant 0 : index
      %swap3A_112 = vector.load %arg10[%swap3A_110, %swap3A_111] : memref<1024x1xf32, #tpu.memory_space<vmem>>, vector<1024x1xf32>
      tpu.vector_store %arg10[%swap3A_110, %swap3A_111], %max3A {strides = array<i32>} : memref<1024x1xf32, #tpu.memory_space<vmem>>, vector<1024x1xf32>,
      %get3A_113 = arith.constant 0 : index
      %get3A_114 = arith.constant 0 : index
      %get3A_115 = vector.load %arg3[%get3A_113, %get3A_114] : memref<1024x1xi32, #tpu.memory_space<vmem>>, vector<1024x1xi32>
      %mul3A_116 = arith.constant 2048 : i32
      %mul3A_117 = arith.muli %arg0, %mul3A_116 : i32
      %iota3A_118 = tpu.iota {dimensions = array<i32: 1>} : vector<1024x2048xi32>
      %add3A_119 = vector.broadcast %mul3A_117 : i32 to vector<1024x2048xi32>
      %add3A_120 = arith.addi %add3A_119, %iota3A_118 : vector<1024x2048xi32>
      %get3A_121 = arith.constant 0 : index
      %get3A_122 = arith.constant 0 : index
      %get3A_123 = vector.load %arg12[%get3A_121, %get3A_122] : memref<1024x1xf32, #tpu.memory_space<vmem>>, vector<1024x1xf32>
      %eq3A_124 = vector.broadcast %get3A_115 : vector<1024x1xi32> to vector<1024x2048xi32>
      %eq3A_125 = arith.cmpi eq, %add3A_120, %eq3A_124 : vector<1024x2048xi32>
      %convert_element_type3A_126 = arith.extf %select_n3A_76 : vector<1024x2048xbf16> to vector<1024x2048xf32>
      %jit3A_127 = arith.constant 0.000000e+00 : f32
      %broadcast_in_dim3A_128 = vector.broadcast %jit3A_127 : f32 to vector<1024x2048xf32>
      %select_n3A_129 = arith.select %eq3A_125, %convert_element_type3A_126, %broadcast_in_dim3A_128 : vector<1024x2048xi1>, vector<1024x2048xf32>
      %reduce_sum3A_130 = arith.constant dense<0.000000e+00> : vector<1024xf32>
      %reduce_sum3A_131 = vector.multi_reduction <add>, %select_n3A_129, %reduce_sum3A_130 [1] : vector<1024x2048xf32> to vector<1024xf32>
      %broadcast_in_dim3A_132 = vector.shape_cast %reduce_sum3A_131 : vector<1024xf32> to vector<1024x1xf32>
      %add3A_133 = arith.addf %get3A_123, %broadcast_in_dim3A_132 : vector<1024x1xf32>
      %swap3A_134 = arith.constant 0 : index
      %swap3A_135 = arith.constant 0 : index
      %swap3A_136 = vector.load %arg12[%swap3A_134, %swap3A_135] : memref<1024x1xf32, #tpu.memory_space<vmem>>, vector<1024x1xf32>
      tpu.vector_store %arg12[%swap3A_134, %swap3A_135], %add3A_133 {strides = array<i32>} : memref<1024x1xf32, #tpu.memory_space<vmem>>, vector<1024x1xf32>,
      %lt3A_137 = arith.constant 904 : i32
      %lt3A_138 = vector.broadcast %lt3A_137 : i32 to vector<1024x2048xi32>
      %lt3A_139 = arith.cmpi slt, %iota3A_70, %lt3A_138 : vector<1024x2048xi32>
      %jit3A_140 = arith.constant -1.000260e+30 : bf16
      %broadcast_in_dim3A_141 = vector.broadcast %jit3A_140 : bf16 to vector<1024x2048xbf16>
      %select_n3A_142 = arith.select %lt3A_139, %convert_element_type3A_54, %broadcast_in_dim3A_141 : vector<1024x2048xi1>, vector<1024x2048xbf16>
      %reduce_max3A_143 = arith.constant dense<0xFF80> : vector<1024xbf16>
      %reduce_max3A_144 = vector.multi_reduction <maximumf>, %select_n3A_142, %reduce_max3A_143 [1] : vector<1024x2048xbf16> to vector<1024xbf16>
      %broadcast_in_dim3A_145 = vector.shape_cast %reduce_max3A_144 : vector<1024xbf16> to vector<1024x1xbf16>
      %convert_element_type3A_146 = arith.extf %broadcast_in_dim3A_145 : vector<1024x1xbf16> to vector<1024x1xf32>
      %get3A_147 = arith.constant 0 : index
      %get3A_148 = arith.constant 0 : index
      %get3A_149 = vector.load %arg10[%get3A_147, %get3A_148] : memref<1024x1xf32, #tpu.memory_space<vmem>>, vector<1024x1xf32>
      %max3A_150 = arith.maximumf %get3A_149, %convert_element_type3A_146 : vector<1024x1xf32>
      %mul3A_151 = arith.constant 14.4269505 : f32
      %mul3A_152 = vector.broadcast %mul3A_151 : f32 to vector<1024x1xf32>
      %mul3A_153 = arith.mulf %mul3A_152, %max3A_150 : vector<1024x1xf32>
      %convert_element_type3A_154 = arith.extf %select_n3A_142 : vector<1024x2048xbf16> to vector<1024x2048xf32>
      %mul3A_155 = arith.constant 14.4269505 : f32
      %mul3A_156 = vector.broadcast %mul3A_155 : f32 to vector<1024x2048xf32>
      %mul3A_157 = arith.mulf %mul3A_156, %convert_element_type3A_154 : vector<1024x2048xf32>
      %sub3A_158 = vector.broadcast %mul3A_153 : vector<1024x1xf32> to vector<1024x2048xf32>
      %sub3A_159 = arith.subf %mul3A_157, %sub3A_158 : vector<1024x2048xf32>
      %exp23A_160 = math.exp2 %sub3A_159 : vector<1024x2048xf32>
      %get3A_161 = arith.constant 0 : index
      %get3A_162 = arith.constant 0 : index
      %get3A_163 = vector.load %arg11[%get3A_161, %get3A_162] : memref<1024x1xf32, #tpu.memory_space<vmem>>, vector<1024x1xf32>
      %get3A_164 = arith.constant 0 : index
      %get3A_165 = arith.constant 0 : index
      %get3A_166 = vector.load %arg10[%get3A_164, %get3A_165] : memref<1024x1xf32, #tpu.memory_space<vmem>>, vector<1024x1xf32>
      %mul3A_167 = arith.constant 14.4269505 : f32
      %mul3A_168 = vector.broadcast %mul3A_167 : f32 to vector<1024x1xf32>
      %mul3A_169 = arith.mulf %mul3A_168, %get3A_166 : vector<1024x1xf32>
      %sub3A_170 = arith.subf %mul3A_169, %mul3A_153 : vector<1024x1xf32>
      %exp23A_171 = math.exp2 %sub3A_170 : vector<1024x1xf32>
      %mul3A_172 = arith.mulf %get3A_163, %exp23A_171 : vector<1024x1xf32>
      %reduce_sum3A_173 = arith.constant dense<0.000000e+00> : vector<1024xf32>
      %reduce_sum3A_174 = vector.multi_reduction <add>, %exp23A_160, %reduce_sum3A_173 [1] : vector<1024x2048xf32> to vector<1024xf32>
      %broadcast_in_dim3A_175 = vector.shape_cast %reduce_sum3A_174 : vector<1024xf32> to vector<1024x1xf32>
      %add3A_176 = arith.addf %mul3A_172, %broadcast_in_dim3A_175 : vector<1024x1xf32>
      %swap3A_177 = arith.constant 0 : index
      %swap3A_178 = arith.constant 0 : index
      %swap3A_179 = vector.load %arg11[%swap3A_177, %swap3A_178] : memref<1024x1xf32, #tpu.memory_space<vmem>>, vector<1024x1xf32>
      tpu.vector_store %arg11[%swap3A_177, %swap3A_178], %add3A_176 {strides = array<i32>} : memref<1024x1xf32, #tpu.memory_space<vmem>>, vector<1024x1xf32>,
      %swap3A_180 = arith.constant 0 : index
      %swap3A_181 = arith.constant 0 : index
      %swap3A_182 = vector.load %arg10[%swap3A_180, %swap3A_181] : memref<1024x1xf32, #tpu.memory_space<vmem>>, vector<1024x1xf32>
      tpu.vector_store %arg10[%swap3A_180, %swap3A_181], %max3A_150 {strides = array<i32>} : memref<1024x1xf32, #tpu.memory_space<vmem>>, vector<1024x1xf32>,
    } else {
    }
    %eq3A_65 = arith.constant 2 : i32
    %eq3A_66 = arith.cmpi eq, %arg0, %eq3A_65 : i32
    %convert_element_type3A_67 = arith.extui %eq3A_66 : i1 to i32
    %cond3A_68 = arith.constant 0 : i32
    %cond3A_69 = arith.cmpi ne, %convert_element_type3A_67, %cond3A_68 : i32
    scf.if %cond3A_69 {
      %get3A_70 = arith.constant 0 : index
      %get3A_71 = arith.constant 0 : index
      %get3A_72 = vector.load %arg3[%get3A_70, %get3A_71] : memref<1024x1xi32, #tpu.memory_space<vmem>>, vector<1024x1xi32>
      %get3A_73 = arith.constant 0 : index
      %get3A_74 = arith.constant 0 : index
      %get3A_75 = vector.load %arg10[%get3A_73, %get3A_74] : memref<1024x1xf32, #tpu.memory_space<vmem>>, vector<1024x1xf32>
      %mul3A_76 = arith.constant 1.000000e+01 : f32
      %mul3A_77 = vector.broadcast %mul3A_76 : f32 to vector<1024x1xf32>
      %mul3A_78 = arith.mulf %mul3A_77, %get3A_75 : vector<1024x1xf32>
      %get3A_79 = arith.constant 0 : index
      %get3A_80 = arith.constant 0 : index
      %get3A_81 = vector.load %arg11[%get3A_79, %get3A_80] : memref<1024x1xf32, #tpu.memory_space<vmem>>, vector<1024x1xf32>
      %log3A = math.log %get3A_81 : vector<1024x1xf32>
      %add3A_82 = arith.addf %mul3A_78, %log3A : vector<1024x1xf32>
      %get3A_83 = arith.constant 0 : index
      %get3A_84 = arith.constant 0 : index
      %get3A_85 = vector.load %arg12[%get3A_83, %get3A_84] : memref<1024x1xf32, #tpu.memory_space<vmem>>, vector<1024x1xf32>
      %mul3A_86 = arith.constant 1.000000e+01 : f32
      %mul3A_87 = vector.broadcast %mul3A_86 : f32 to vector<1024x1xf32>
      %mul3A_88 = arith.mulf %mul3A_87, %get3A_85 : vector<1024x1xf32>
      %sub3A = arith.subf %add3A_82, %mul3A_88 : vector<1024x1xf32>
      %ge3A_89 = arith.constant 0 : i32
      %ge3A_90 = vector.broadcast %ge3A_89 : i32 to vector<1024x1xi32>
      %ge3A_91 = arith.cmpi sge, %get3A_72, %ge3A_90 : vector<1024x1xi32>
      %lt3A_92 = arith.constant 5532 : i32
      %lt3A_93 = vector.broadcast %lt3A_92 : i32 to vector<1024x1xi32>
      %lt3A_94 = arith.cmpi slt, %get3A_72, %lt3A_93 : vector<1024x1xi32>
      %and3A_95 = arith.andi %ge3A_91, %lt3A_94 : vector<1024x1xi1>
      %convert_element_type3A_96 = arith.extui %and3A_95 : vector<1024x1xi1> to vector<1024x1xi32>
      %convert_element_type3A_97 = arith.sitofp %convert_element_type3A_96 : vector<1024x1xi32> to vector<1024x1xf32>
      %mul3A_98 = arith.mulf %convert_element_type3A_97, %sub3A : vector<1024x1xf32>
      %reduce_sum3A = vector.shape_cast %mul3A_98 : vector<1024x1xf32> to vector<1x1024x1xf32>
      %reduce_sum3A_99 = arith.constant dense<0.000000e+00> : vector<1xf32>
      %reduce_sum3A_100 = vector.multi_reduction <add>, %reduce_sum3A, %reduce_sum3A_99 [1, 2] : vector<1x1024x1xf32> to vector<1xf32>
      %reduce_sum3A_101 = vector.shape_cast %reduce_sum3A_100 : vector<1xf32> to vector<1x1x1xf32>
      %reduce_sum3A_102 = vector.extract %reduce_sum3A_101[0, 0, 0] : f32 from vector<1x1x1xf32>
      %reduce_sum3A_103 = vector.shape_cast %convert_element_type3A_97 : vector<1024x1xf32> to vector<1x1024x1xf32>
      %reduce_sum3A_104 = arith.constant dense<0.000000e+00> : vector<1xf32>
      %reduce_sum3A_105 = vector.multi_reduction <add>, %reduce_sum3A_103, %reduce_sum3A_104 [1, 2] : vector<1x1024x1xf32> to vector<1xf32>
      %reduce_sum3A_106 = vector.shape_cast %reduce_sum3A_105 : vector<1xf32> to vector<1x1x1xf32>
      %reduce_sum3A_107 = vector.extract %reduce_sum3A_106[0, 0, 0] : f32 from vector<1x1x1xf32>
      %max3A = arith.constant 9.99999996E-13 : f32
      %max3A_108 = arith.maximumf %reduce_sum3A_107, %max3A : f32
      %div3A = arith.divf %reduce_sum3A_102, %max3A_108 : f32
      %swap3A_109 = arith.constant 0 : index
      %swap3A_110 = arith.constant 0 : index
      %swap3A_111 = memref.load %arg7[%swap3A_109, %swap3A_110] : memref<1x1xf32, #tpu.memory_space<smem>>
      memref.store %div3A, %arg7[%swap3A_109, %swap3A_110] : memref<1x1xf32, #tpu.memory_space<smem>>
    } else {
    }
    return
  }
  func.func @transform_0(%arg0: i32) -> (i32, i32) {
    %c0_i32 = arith.constant 0 : i32
    %c0_i32_0 = arith.constant 0 : i32
    %c0_i32_1 = arith.constant 0 : i32
    return %c0_i32, %c0_i32_0 : i32, i32
  }
  func.func @transform_1(%arg0: i32) -> (i32, i32) {
    %c0_i32 = arith.constant 0 : i32
    %c0_i32_0 = arith.constant 0 : i32
    %c0_i32_1 = arith.constant 0 : i32
    return %c0_i32, %c0_i32_0 : i32, i32
  }
  func.func @transform_2(%arg0: i32) -> (i32, i32) {
    %c0_i32 = arith.constant 0 : i32
    %c0_i32_0 = arith.constant 0 : i32
    %c0_i32_1 = arith.constant 0 : i32
    return %c0_i32, %c0_i32_0 : i32, i32
  }
  func.func @transform_3(%arg0: i32) -> (i32, i32, i32) {
    %c0_i32 = arith.constant 0 : i32
    %c0_i32_0 = arith.constant 0 : i32
    %c0_i32_1 = arith.constant 0 : i32
    %c0_i32_2 = arith.constant 0 : i32
    return %c0_i32, %c0_i32_0, %c0_i32_1 : i32, i32, i32
  }
  func.func @transform_4(%arg0: i32) -> (i32, i32) {
    %c0_i32 = arith.constant 0 : i32
    %c0_i32_0 = arith.constant 0 : i32
    return %arg0, %c0_i32 : i32, i32
  }
  func.func @transform_5(%arg0: i32) -> (i32, i32) {
    %c0_i32 = arith.constant 0 : i32
    %c0_i32_0 = arith.constant 0 : i32
    return %arg0, %c0_i32 : i32, i32
  }
  func.func @transform_6(%arg0: i32) -> (i32, i32) {
    %c0_i32 = arith.constant 0 : i32
    %c0_i32_0 = arith.constant 0 : i32
    %c0_i32_1 = arith.constant 0 : i32
    return %c0_i32, %c0_i32_0 : i32, i32
  }
  func.func @transform_7(%arg0: i32) -> (i32, i32) {
    %c0_i32 = arith.constant 0 : i32
    %c0_i32_0 = arith.constant 0 : i32
    %c0_i32_1 = arith.constant 0 : i32
    return %c0_i32, %c0_i32_0 : i32, i32
  }
  func.func @transform_8(%arg0: i32) -> (i32, i32) {
    %c0_i32 = arith.constant 0 : i32
    %c0_i32_0 = arith.constant 0 : i32
    return %arg0, %c0_i32 : i32, i32
  }
}

</mosaic_0001>

<sc_bundles>
// kernel: kernel.4.cloned.1.call-start
scs
__scs_entry_jumppad:
0x0: {  	(pc) =	sbr.rel $0x88, $3  }
0x1: {  	(tag) =	ssettag $0x0;
	lr =	simm.s32 $0x1  }
0x2: {  	[smem:$0x3F9C] =	sst lr;
	_ =	strace $0xD0000000  }
0x3: {  	_ = 	snop  }
0x4: {  	_ = 	snop  }
0x5: {  	_ = 	snop  }
0x6: {  	_ = 	snop  }
0x7: {  	_ = 	snop  }
__scs_overlays_trampoline_lowered:
0x8: {  	[smem:$0x3FAB] =	sst s0  }
0x9: {  	[smem:$0x3FAC] =	sst s1  }
0xa: {  	[smem:$0x3FAD] =	sst s2  }
0xb: {  	[smem:$0x3FAE] =	sst s3  }
0xc: {  	[smem:$0x3FAF] =	sst s4  }
0xd: {  	[smem:$0x3FB0] =	sst s5  }
0xe: {  	[smem:$0x3FB1] =	sst s6  }
0xf: {  	[smem:$0x3FB2] =	sst s7  }
0x10: {  	[smem:$0x3FB3] =	sst s8  }
0x11: {  	[smem:$0x3FB4] =	sst s9;
	s0 =	simm.s32 @!p0 $0x0  }
0x12: {  	s1 =	sld [smem:$0x3F9A];
	s0 =	simm.s32 @p0 $0x1  }
0x13: {  	[smem:$0x3FB5] =	sst s0;
	s0 =	simm.s32 @!p1 $0x0  }
0x14: {  	s2 =	sld [smem:$0x3F99];
	s0 =	simm.s32 @p1 $0x1  }
0x15: {  	[smem:$0x3FB6] =	sst s0;
	s0 =	simm.s32 @!p2 $0x0  }
0x16: {  	s3 =	sld [smem:$0x3FDB];
	s0 =	simm.s32 @p2 $0x1  }
0x17: {  	s4 =	simm.s32 $0x1BF5;
	[smem:$0x3FB8] =	sst s0  }
0x18: {  	s0 =	sld [smem:$0x3F9B];
	_ =	swait.ge [sflag:s4], $0x0  }
0x19: {  	s7 =	sld [smem:$0x3F9C]  }
0x1a: {  	s8 =	sadd.s32 $0xFFFFE003, lr  }
0x1b: {  	s9 =	sadd.s32 $0xFFFFFEF7, lr;
	s5 =	simm.s32 $0xFFFFFFFF;
	p2 =	slt.u32 s8, $0xFFFFF086  }
0x1c: {  	p1 =	slt.u32 s9, $0xF7A;
	s5 =	simm.s32 @!p2 $0x0  }
0x1d: {  	s5 =	simm.s32 @p1 $0x1;
	p0 =	seq.s32 s7, s2  }
0x1e: {  	s7 =	smul.u32 @!p0 $0xF7A, s2;
	p2 =	seq.s32 @!p0 s5, $0x0  }
0x1f: {  	s9 =	smul.u32 $0xF7A, s1;
	s8 =	simm.s32 @!p0 $0x1BF5;
	p2 =	por !p2, p0  }
0x20: {  	[sflag:s8] =	ssyncset.s32 @!p0 $0xFFFFF086;
	s6 =	sadd.s32 @!p0 s3, s7;
	s7 =	simm.s32 @!p0 $0x108  }
0x21: {  	s3 =	sadd.s32 s3, s9;
	s6 =	sadd.s32 @!p0 $0x88, s6;
	s7 =	simm.s32 @p2 $0x1082  }
0x22: {  	[simem:s7], [sflag:s8] =	dma.local @!p0 [hbm:s6], $0xF7A  }
0x23: {  	s9 =	sor.u32 $0xD0000000, s2;
	s6 =	simm.s32 $0x108;
	_ =	swait.ge @!p0 [sflag:s8], $0x0  }
0x24: {  	s3 =	sadd.s32 $0x88, s3;
	s6 =	simm.s32 @!p1 $0x1082;
	[sflag:s4] =	ssyncset.s32 $0xFFFFF086  }
0x25: {  	[simem:s6], [sflag:s4] =	dma.local [hbm:s3], $0xF7A  }
0x26: {  	[smem:$0x3F9C] =	sst s1;
	(tag) =	ssettag s2;
	_ =	strace s9  }
0x27: {  	s1 =	sld [smem:$0x3FAC]  }
0x28: {  	s2 =	sld [smem:$0x3FAD]  }
0x29: {  	s4 =	sld [smem:$0x3FAF]  }
0x2a: {  	p0 =	seq.s32 s5, $0x0;
	s5 =	sld [smem:$0x3FB0]  }
0x2b: {  	s6 =	sld [smem:$0x3FB1]  }
0x2c: {  	s7 =	sld [smem:$0x3FB2]  }
0x2d: {  	s3 =	simm.s32 $0x108;
	s8 =	sld [smem:$0x3FB3]  }
0x2e: {  	s3 =	simm.s32 @!p0 $0x1082;
	s9 =	sld [smem:$0x3FB4]  }
0x2f: {  	lr =	sadd.s32 s0, s3;
	s0 =	sld [smem:$0x3FAB]  }
0x30: {  	s3 =	sld [smem:$0x3FAE]  }
0x31: {  	[smem:$0x3FB7] =	sst s10  }
0x32: {  	s10 =	sld [smem:$0x3FB5];
	_ =	sdelay $0x3  }
0x33: {  	p0 =	seq.s32 s10, $0x1;
	s10 =	sld [smem:$0x3FB7];
	_ =	sdelay $0x3  }
0x34: {  	[smem:$0x3FB7] =	sst s10  }
0x35: {  	s10 =	sld [smem:$0x3FB6];
	_ =	sdelay $0x3  }
0x36: {  	p1 =	seq.s32 s10, $0x1;
	s10 =	sld [smem:$0x3FB7];
	_ =	sdelay $0x3  }
0x37: {  	[smem:$0x3FB7] =	sst s10  }
0x38: {  	s10 =	sld [smem:$0x3FB8]  }
0x39: {  	_ = 	snop;
	(pc) =	sbr.ind lr, $3  }
0x3a: {  	_ = 	snop  }
0x3b: {  	_ = 	snop  }
0x3c: {  	p2 =	seq.s32 s10, $0x1;
	s10 =	sld [smem:$0x3FB7]  }
0x3d: {  	_ =	shalt  }
0x3e: {  	_ =	shalt  }
0x3f: {  	_ =	shalt  }
0x40: {  	_ =	shalt  }
0x41: {  	_ =	shalt  }
0x42: {  	_ =	shalt  }
0x43: {  	_ =	shalt  }
0x44: {  	_ =	shalt  }
0x45: {  	_ =	shalt  }
0x46: {  	_ =	shalt  }
0x47: {  	_ =	shalt  }
0x48: {  	_ =	shalt  }
0x49: {  	_ =	shalt  }
0x4a: {  	_ =	shalt  }
0x4b: {  	_ =	shalt  }
0x4c: {  	_ =	shalt  }
0x4d: {  	_ =	shalt  }
0x4e: {  	_ =	shalt  }
0x4f: {  	_ =	shalt  }
0x50: {  	_ =	shalt  }
0x51: {  	_ =	shalt  }
0x52: {  	_ =	shalt  }
0x53: {  	_ =	shalt  }
0x54: {  	_ =	shalt  }
0x55: {  	_ =	shalt  }
0x56: {  	_ =	shalt  }
0x57: {  	_ =	shalt  }
0x58: {  	_ =	shalt  }
0x59: {  	_ =	shalt  }
0x5a: {  	_ =	shalt  }
0x5b: {  	_ =	shalt  }
0x5c: {  	_ =	shalt  }
0x5d: {  	_ =	shalt  }
0x5e: {  	_ =	shalt  }
0x5f: {  	_ =	shalt  }
0x60: {  	_ =	shalt  }
0x61: {  	_ =	shalt  }
0x62: {  	_ =	shalt  }
0x63: {  	_ =	shalt  }
0x64: {  	_ =	shalt  }
0x65: {  	_ =	shalt  }
0x66: {  	_ =	shalt  }
0x67: {  	_ =	shalt  }
0x68: {  	_ =	shalt  }
0x69: {  	_ =	shalt  }
0x6a: {  	_ =	shalt  }
0x6b: {  	_ =	shalt  }
0x6c: {  	_ =	shalt  }
0x6d: {  	_ =	shalt  }
0x6e: {  	_ =	shalt  }
0x6f: {  	_ =	shalt  }
0x70: {  	_ =	shalt  }
0x71: {  	_ =	shalt  }
0x72: {  	_ =	shalt  }
0x73: {  	_ =	shalt  }
0x74: {  	_ =	shalt  }
0x75: {  	_ =	shalt  }
0x76: {  	_ =	shalt  }
0x77: {  	_ =	shalt  }
0x78: {  	_ =	shalt  }
0x79: {  	_ =	shalt  }
0x7a: {  	_ =	shalt  }
0x7b: {  	_ =	shalt  }
0x7c: {  	_ =	shalt  }
0x7d: {  	_ =	shalt  }
0x7e: {  	_ =	shalt  }
0x7f: {  	_ =	shalt  }
0x80: {  	_ =	shalt  }
0x81: {  	_ =	shalt  }
0x82: {  	_ =	shalt  }
0x83: {  	_ =	shalt  }
0x84: {  	_ =	shalt  }
0x85: {  	_ =	shalt  }
0x86: {  	_ =	shalt  }
0x87: {  	_ =	shalt  }
.Lfunc_end0:
.L_simem_size_0:
called_computation_lowered:
.L_overlay_start_0:
0x88: {  	s2 =	sld [smem:$0x3FD9]  }
0x89: {  	s3 =	sld [smem:$0x3FFE];
	_ =	sdelay $0x1  }
0x8a: {  	s1 =	srdreg.scid  }
0x8b: {  	s0 =	sand.u32 $0x1, s1  }
0x8c: {  	s14 =	sshll.u32 s0, $0xA;
	s2 =	sadd.s32 s3, s2  }
0x8d: {  	s2 =	sadd.s32 s2, s14  }
0x8e: {  	[smem:$0x3FC3] =	sst s2  }
0x8f: {  	_ = 	snop  }
0x90: {  	s2 =	sld [smem:$0x3FD0];
	_ =	sdelay $0x2  }
0x91: {  	s15 =	simm.s32 $0xA;
	s4 =	simm.s32 $0x10  }
0x92: {  	[smem:s4], [sflag:s15] =	dma.local [hbm:s2], $0x1  }
0x93: {  	_ =	swait.eq [sflag:s15], $0x1  }
0x94: {  	[sflag:s15] =	ssyncset.done $0x0  }
0x95: {  	s16 =	sld [smem:$0x11];
	[sflag:s15] =	ssyncadd.s32 $0xFFFFFFFF  }
0x96: {  	s17 =	sld [smem:$0x12];
	(tm) =	ssettm $0x1  }
0x97: {  	s18 =	sld [smem:$0x3FFB];
	_ =	sdelay $0x3  }
0x98: {  	_ =	strace s18  }
0x99: {  	s4 =	sld [smem:$0x3FFC];
	_ =	sdelay $0x3  }
0x9a: {  	_ =	strace s4  }
0x9b: {  	s4 =	sld [smem:$0x3FFD];
	_ =	sdelay $0x3  }
0x9c: {  	_ =	strace s4  }
0x9d: {  	_ =	strace $0x8FFFFFFF  }
0x9e: {  	s19 =	sld [smem:$0x3FDB];
	_ =	sdelay $0x1  }
0x9f: {  	s5 =	simm.s32 $_scs_section_size  }
0xa0: {  	s6 =	simm.s32 $_size__tile_overlayer_lowered;
	s7 =	simm.s32 $_tile_overlayer_lowered  }
0xa1: {  	s22 =	simm.s32 $0x1BFF;
	s21 =	sshll.u32 s7, $0x1;
	s4 =	sadd.s32 s5, s19  }
0xa2: {  	s8 =	simm.s32 $0x0;
	s20 =	sshll.u32 s6, $0x1;
	s6 =	sadd.s32 s21, s4  }
0xa3: {  	[timem:s8], [sflag:s22] =	dma.local [hbm:s6], s20  }
0xa4: {  	_ =	swait.ge [sflag:s22], s20  }
0xa5: {  	s5 =	ssub.s32 $0x0, s20;
	[sflag:s22] =	ssyncset.done $0x0  }
0xa6: {  	[sflag:s22] =	ssyncadd.s32 s5;
	_ =	sdelay $0x1  }
0xa7: {  	s23 =	simm.s32 $0x1B8B  }
0xa8: {  	_ =	swait.ge [sflag:s23], $0x1  }
0xa9: {  	[sflag:s23] =	ssyncset.done $0x0  }
0xaa: {  	s25 =	simm.s32 $0x1B8E;
	s24 =	sld [smem:$0x3FFE];
	[sflag:s23] =	ssyncadd.s32 $0xFFFFFFFF  }
0xab: {  	s26 =	simm.s32 $execute0_lowered;
	[smem:$0x3FD2] =	sst s25  }
0xac: {  	s6 =	sshll.u32 s26, $0x1;
	_ =	strace $0x80000046;
	[dreg:$0x1] =	wrdreg $0xFFFFFFFF  }
0xad: {  	s28 =	simm.s32 $_size_execute0_lowered;
	s4 =	sadd.s32 s4, s6;
	[dreg:$0x0] =	wrdreg $0x0  }
0xae: {  	s6 =	sshll.u32 s28, $0x1;
	[dreg:$0x2] =	wrdreg s4  }
0xaf: {  	[dreg:$0x3] =	wrdreg s6  }
0xb0: {  	[dreg:$0x4] =	wrdreg $0xC0  }
0xb1: {  	_ =	task [dreg:s8], $0x5FFFF  }
0xb2: {  	[dreg:$0x1] =	wrdreg $0xFFFFFFFF  }
0xb3: {  	[dreg:$0x0] =	wrdreg $0x60  }
0xb4: {  	[dreg:$0x2] =	wrdreg s24  }
0xb5: {  	[dreg:$0x3] =	wrdreg s17  }
0xb6: {  	[dreg:$0x4] =	wrdreg s16  }
0xb7: {  	[dreg:$0x5] =	wrdreg $0x9  }
0xb8: {  	_ =	task.clear_ibuf [dreg:s8], $0x6FFFF;
	_ =	strace $0x90000046  }
0xb9: {  	s29 =	simm.s32 $0x9;
	_ =	strace $0x80000048  }
0xba: {  	_ =	swait.ge [sflag:s29], $0x1  }
0xbb: {  	[sflag:s29] =	ssyncadd.s32 $0xFFFFFFFF  }
0xbc: {  	_ =	strace $0x90000048  }
0xbd: {  	_ =	sfence  }
0xbe: {  	s30 =	sld [smem:$0x0];
	_ =	sdelay $0x2  }
0xbf: {  	s31 =	sshll.u32 s1, $0xD;
	s1 =	sshrl.u32 s1, $0x2  }
0xc0: {  	s3 =	sand.u32 $0x4000, s31;
	s1 =	sadd.s32 s1, s30  }
0xc1: {  	s0 =	sor.u32 s3, s0;
	s1 =	sshll.u32 s1, $0x11  }
0xc2: {  	s0 =	sor.u32 s1, s0  }
0xc3: {  	s0 =	sadd.s32 $0x8F2B, s0  }
0xc4: {  	[sflag:s0] =	ssyncadd.remote.s32 $0x1  }
0xc5: {  	_ =	sfence.sel $0xFFFF  }
0xc6: {  	[dreg:$0x0] =	wrdreg $0xFFFFFFFF;
	(pc) =	sbr.abs _section_cstart, $3  }
0xc7: {  	[dreg:$0x1] =	wrdreg $0xFFFFFFFF  }
0xc8: {  	_ =	task.clear_ibuf [dreg:s8], $0x2FFFF;
	_ =	strace $0x9FFFFFFF  }
0xc9: {  	(tm) =	ssettm $0x7FFFFFFF  }
tec
execute0_lowered:
.L_overlay_start_1:
0x0: {  	(tag) =	ssettag $0x1  }
0x1: {  	s1 =	rddreg [dreg:$0x0]  }
0x2: {  	s8 =	rddreg [dreg:$0x1]  }
0x3: {  	s2 =	rddreg [dreg:$0x2]  }
0x4: {  	s0 =	srdreg.scid;
	s11 =	stileid.u32;
	s3 =	simm.s32 $0x0;
	v2 =	vlaneseq.u32  }
0x5: {  	vm0 =	vcmask $0x300;
	v1 =	vimm.s32 $0x2B33;
	vm1 =	vcmask $0x704;
	s12 =	simm.s32 $0x180;
	s13 =	simm.s32 $0x980;
	s14 =	simm.s32 $0x1180  }
0x6: {  	vm2 =	vcmask $0xB08;
	s15 =	simm.s32 $0x1980;
	s16 =	simm.s32 $0x2180;
	s17 =	simm.s32 $0x2980;
	v3 =	vshrl.u32 v2, $0x3;
	v4 =	vsel vm0, $0x2B20, v1  }
0x7: {  	vm3 =	vcmask $0xF0C;
	s18 =	simm.s32 $0x3180;
	s19 =	simm.s32 $0x3980;
	s20 =	simm.s32 $0x4180;
	v1 =	vmul.u32 $0x8, v3;
	v3 =	vsel vm1, $0x2B21, v4  }
0x8: {  	s21 =	simm.s32 $0x4980;
	s22 =	simm.s32 $0x5180;
	s28 =	simm.s32 $0x7980;
	v0 =	vand.u32 $0x7, v2;
	v4 =	vimm.s32 $0x159B;
	v3 =	vsel vm2, $0x2B22, v3  }
0x9: {  	s29 =	simm.s32 $0x8180;
	s30 =	simm.s32 $0x8980;
	s31 =	simm.s32 $0x9180;
	v4 =	vsel vm0, $0x1590, v4;
	vm0 =	vcmask $0x1310;
	v3 =	vsel vm3, $0x2B23, v3  }
0xa: {  	s5 =	sand.u32 $0x1, s0;
	s23 =	sshll.u32 s11, $0x1;
	[smem:$0x7FF] =	sst s3;
	v4 =	vsel vm1, $0x1591, v4;
	vm1 =	vcmask $0x1714;
	v3 =	vsel vm0, $0x2B24, v3  }
0xb: {  	s4 =	sadd.s32 $0x800, s1;
	p0 =	sgt.u32 s11, $0xD;
	s0 =	sor.u32 s5, s23;
	v4 =	vsel vm2, $0x1592, v4;
	vm2 =	vcmask $0x1B18;
	v3 =	vsel vm1, $0x2B25, v3  }
0xc: {  	s11 =	simm.s32 $0x2;
	_ =	strace $0x80000047;
	s6 =	smul.u32 $0xC000, s0;
	v4 =	vsel vm3, $0x1593, v4;
	vm3 =	vcmask $0x1F1C;
	v3 =	vsel vm2, $0x2B26, v3  }
0xd: {  	s24 =	ssub.s32 $0x2, s5;
	s23 =	simm.s32 $0x5980;
	s25 =	smul.u32 $0x18, s0;
	v4 =	vsel vm0, $0x1594, v4;
	vm0 =	vcmask $0x2320;
	v3 =	vsel vm3, $0x2B27, v3  }
0xe: {  	s7 =	sshrl.u32 s24, $0x1;
	s9 =	smul.u32 $0x1800, s0;
	p1 =	sne.s32 s0, $0x1C;
	v4 =	vsel vm1, $0x1595, v4;
	vm1 =	vcmask $0x2724;
	v3 =	vsel vm0, $0x2B30, v3  }
.Ltmp0:
0xf: {  	s0 =	simm.s32 $0x9980;
	s1 =	ssub.s32 s24, s7;
	v4 =	vsel vm2, $0x1596, v4;
	vm2 =	vcmask $0x2B28;
	v3 =	vsel vm1, $0x2B31, v3;
	(pc) =	sbr.rel .LBB2_1-.Ltmp0, $4  }
0x10: {  	v2 =	vor.u32 $0x8, v2;
	s24 =	simm.s32 $0x6180;
	s6 =	sshrl.u32 s6, $0x3;
	s5 =	sadd.s32 s8, s25;
	v4 =	vsel vm3, $0x1597, v4;
	v3 =	vsel vm2, $0x2B32, v3  }
0x11: {  	s8 =	sadd.s32 $0x2A0, s8;
	s10 =	smax.u32 s1, $0x1;
	s25 =	simm.s32 $0x6980;
	v4 =	vsel vm0, $0x1598, v4;
	v5 =	vperm.xlane v3, v0;
	v6 =	vperm.xlane v3, v2  }
0x12: {  	s1 =	simm.s32 $0x1;
	s26 =	sadd.s32 s2, s6;
	s6 =	sadd.s32 s2, s9;
	vm0 =	vmmov $0xffff;
	v3 =	vsel vm1, $0x1599, v4  }
0x13: {  	s9 =	sadd.s32 $0x2A000, s2;
	s7 =	sadd.s32 $0xC00, s26;
	s26 =	simm.s32 $0x7180;
	v3 =	vsel vm2, $0x159A, v3;
	v4 =	vadd.s32 v1, v5;
	v5 =	vadd.s32 v1, v6  }
.LBB2_5:
0x14: {  	s10 =	sadd.s32 $0xFFFFFFFF, s10  }
0x15: {  	p2 =	sne.s32 s10, $0x0  }
.Ltmp1:
0x16: {  	_ = 	snop;
	(pc) =	sbr.rel @!p2 .LBB2_6-.Ltmp1, $1  }
0x17: {  	_ =	sdelay $0x3  }
.LBB2_1:
.Ltmp2:
0x18: {  	(pc) =	sbr.rel @p0 .LBB2_3-.Ltmp2, $1  }
0x19: {  	_ =	sdelay $0x3  }
0x1a: {  	[tilespmem:s3], [sflag:$0x2] =	stream.linear.gather [hbm4b:s5+s3], $0xC0, $0x38;
	[tilespmem:$0xC180] =	vst v63  }
0x1b: {  	_ =	swait.ge [sflag:s11], $0xC0  }
0x1c: {  	[sflag:s11] =	ssyncset.done $0x0  }
0x1d: {  	[sflag:s11] =	ssyncadd.s32 $0xFFFFFF40  }
0x1e: {  	v6 =	vld [tilespmem:$0x0];
	_ =	sdelay $0x4  }
0x1f: {  	v7 =	vshll.u32 v6, $0x1  }
0x20: {  	v6 =	vand.u32 $0x7, v6;
	v7 =	vand.u32 $0xFFFFFFF0, v7  }
0x21: {  	v6 =	vor.u32 v6, v7  }
0x22: {  	v7 =	vperm.xlane v6, v0;
	_ =	sdelay $0x1  }
0x23: {  	v6 =	vperm.xlane v6, v2;
	v7 =	vadd.s32 v1, v7;
	_ =	sdelay $0x1  }
0x24: {  	v6 =	vadd.s32 v1, v6;
	_ =	sdelay $0x2  }
0x25: {  	[tilespmem:s12], [sflag:$0x1] =	stream.indirect_vreg.gather [hbm4b:s4+s3], $0x80, v7, vm0, $0xb8;
	[tilespmem:$0xC180] =	vst v63  }
0x26: {  	_ = 	snop  }
0x27: {  	[tilespmem:s13], [sflag:$0x1] =	stream.indirect_vreg.gather [hbm4b:s4+s3], $0x80, v6, vm0, $0xb8;
	[tilespmem:$0xC180] =	vst v63  }
0x28: {  	v6 =	vld [tilespmem:$0x10];
	_ =	sdelay $0x4  }
0x29: {  	v7 =	vshll.u32 v6, $0x1  }
0x2a: {  	v6 =	vand.u32 $0x7, v6;
	v7 =	vand.u32 $0xFFFFFFF0, v7  }
0x2b: {  	v6 =	vor.u32 v6, v7  }
0x2c: {  	v7 =	vperm.xlane v6, v0;
	_ =	sdelay $0x1  }
0x2d: {  	v6 =	vperm.xlane v6, v2;
	v7 =	vadd.s32 v1, v7;
	_ =	sdelay $0x1  }
0x2e: {  	v6 =	vadd.s32 v1, v6;
	_ =	sdelay $0x2  }
0x2f: {  	[tilespmem:s14], [sflag:$0x1] =	stream.indirect_vreg.gather [hbm4b:s4+s3], $0x80, v7, vm0, $0xb8;
	[tilespmem:$0xC180] =	vst v63  }
0x30: {  	_ = 	snop  }
0x31: {  	[tilespmem:s15], [sflag:$0x1] =	stream.indirect_vreg.gather [hbm4b:s4+s3], $0x80, v6, vm0, $0xb8;
	[tilespmem:$0xC180] =	vst v63  }
0x32: {  	v6 =	vld [tilespmem:$0x20];
	_ =	sdelay $0x4  }
0x33: {  	v7 =	vshll.u32 v6, $0x1  }
0x34: {  	v6 =	vand.u32 $0x7, v6;
	v7 =	vand.u32 $0xFFFFFFF0, v7  }
0x35: {  	v6 =	vor.u32 v6, v7  }
0x36: {  	v7 =	vperm.xlane v6, v0;
	_ =	sdelay $0x1  }
0x37: {  	v6 =	vperm.xlane v6, v2;
	v7 =	vadd.s32 v1, v7;
	_ =	sdelay $0x1  }
0x38: {  	v6 =	vadd.s32 v1, v6;
	_ =	sdelay $0x2  }
0x39: {  	[tilespmem:s16], [sflag:$0x1] =	stream.indirect_vreg.gather [hbm4b:s4+s3], $0x80, v7, vm0, $0xb8;
	[tilespmem:$0xC180] =	vst v63  }
0x3a: {  	_ = 	snop  }
0x3b: {  	[tilespmem:s17], [sflag:$0x1] =	stream.indirect_vreg.gather [hbm4b:s4+s3], $0x80, v6, vm0, $0xb8;
	[tilespmem:$0xC180] =	vst v63  }
0x3c: {  	v6 =	vld [tilespmem:$0x30];
	_ =	sdelay $0x4  }
0x3d: {  	v7 =	vshll.u32 v6, $0x1  }
0x3e: {  	v6 =	vand.u32 $0x7, v6;
	v7 =	vand.u32 $0xFFFFFFF0, v7  }
0x3f: {  	v6 =	vor.u32 v6, v7  }
0x40: {  	v7 =	vperm.xlane v6, v0;
	_ =	sdelay $0x1  }
0x41: {  	v6 =	vperm.xlane v6, v2;
	v7 =	vadd.s32 v1, v7;
	_ =	sdelay $0x1  }
0x42: {  	v6 =	vadd.s32 v1, v6;
	_ =	sdelay $0x2  }
0x43: {  	[tilespmem:s18], [sflag:$0x1] =	stream.indirect_vreg.gather [hbm4b:s4+s3], $0x80, v7, vm0, $0xb8;
	[tilespmem:$0xC180] =	vst v63  }
0x44: {  	_ = 	snop  }
0x45: {  	[tilespmem:s19], [sflag:$0x1] =	stream.indirect_vreg.gather [hbm4b:s4+s3], $0x80, v6, vm0, $0xb8;
	[tilespmem:$0xC180] =	vst v63  }
0x46: {  	v6 =	vld [tilespmem:$0x40];
	_ =	sdelay $0x4  }
0x47: {  	v7 =	vshll.u32 v6, $0x1  }
0x48: {  	v6 =	vand.u32 $0x7, v6;
	v7 =	vand.u32 $0xFFFFFFF0, v7  }
0x49: {  	v6 =	vor.u32 v6, v7  }
0x4a: {  	v7 =	vperm.xlane v6, v0;
	_ =	sdelay $0x1  }
0x4b: {  	v6 =	vperm.xlane v6, v2;
	v7 =	vadd.s32 v1, v7;
	_ =	sdelay $0x1  }
0x4c: {  	v6 =	vadd.s32 v1, v6;
	_ =	sdelay $0x2  }
0x4d: {  	[tilespmem:s20], [sflag:$0x1] =	stream.indirect_vreg.gather [hbm4b:s4+s3], $0x80, v7, vm0, $0xb8;
	[tilespmem:$0xC180] =	vst v63  }
0x4e: {  	_ = 	snop  }
0x4f: {  	[tilespmem:s21], [sflag:$0x1] =	stream.indirect_vreg.gather [hbm4b:s4+s3], $0x80, v6, vm0, $0xb8;
	[tilespmem:$0xC180] =	vst v63  }
0x50: {  	v6 =	vld [tilespmem:$0x50];
	_ =	sdelay $0x4  }
0x51: {  	v7 =	vshll.u32 v6, $0x1  }
0x52: {  	v6 =	vand.u32 $0x7, v6;
	v7 =	vand.u32 $0xFFFFFFF0, v7  }
0x53: {  	v6 =	vor.u32 v6, v7  }
0x54: {  	v7 =	vperm.xlane v6, v0;
	_ =	sdelay $0x1  }
0x55: {  	v6 =	vperm.xlane v6, v2;
	v7 =	vadd.s32 v1, v7;
	_ =	sdelay $0x1  }
0x56: {  	v6 =	vadd.s32 v1, v6;
	_ =	sdelay $0x2  }
0x57: {  	[tilespmem:s22], [sflag:$0x1] =	stream.indirect_vreg.gather [hbm4b:s4+s3], $0x80, v7, vm0, $0xb8;
	[tilespmem:$0xC180] =	vst v63  }
0x58: {  	_ = 	snop  }
0x59: {  	[tilespmem:s23], [sflag:$0x1] =	stream.indirect_vreg.gather [hbm4b:s4+s3], $0x80, v6, vm0, $0xb8;
	[tilespmem:$0xC180] =	vst v63  }
0x5a: {  	v6 =	vld [tilespmem:$0x60];
	_ =	sdelay $0x4  }
0x5b: {  	v7 =	vshll.u32 v6, $0x1  }
0x5c: {  	v6 =	vand.u32 $0x7, v6;
	v7 =	vand.u32 $0xFFFFFFF0, v7  }
0x5d: {  	v6 =	vor.u32 v6, v7  }
0x5e: {  	v7 =	vperm.xlane v6, v0;
	_ =	sdelay $0x1  }
0x5f: {  	v6 =	vperm.xlane v6, v2;
	v7 =	vadd.s32 v1, v7;
	_ =	sdelay $0x1  }
0x60: {  	v6 =	vadd.s32 v1, v6;
	_ =	sdelay $0x2  }
0x61: {  	[tilespmem:s24], [sflag:$0x1] =	stream.indirect_vreg.gather [hbm4b:s4+s3], $0x80, v7, vm0, $0xb8;
	[tilespmem:$0xC180] =	vst v63  }
0x62: {  	_ = 	snop  }
0x63: {  	[tilespmem:s25], [sflag:$0x1] =	stream.indirect_vreg.gather [hbm4b:s4+s3], $0x80, v6, vm0, $0xb8;
	[tilespmem:$0xC180] =	vst v63  }
0x64: {  	v6 =	vld [tilespmem:$0x70];
	_ =	sdelay $0x4  }
0x65: {  	v7 =	vshll.u32 v6, $0x1  }
0x66: {  	v6 =	vand.u32 $0x7, v6;
	v7 =	vand.u32 $0xFFFFFFF0, v7  }
0x67: {  	v6 =	vor.u32 v6, v7  }
0x68: {  	v7 =	vperm.xlane v6, v0;
	_ =	sdelay $0x1  }
0x69: {  	v6 =	vperm.xlane v6, v2;
	v7 =	vadd.s32 v1, v7;
	_ =	sdelay $0x1  }
0x6a: {  	v6 =	vadd.s32 v1, v6;
	_ =	sdelay $0x2  }
0x6b: {  	[tilespmem:s26], [sflag:$0x1] =	stream.indirect_vreg.gather [hbm4b:s4+s3], $0x80, v7, vm0, $0xb8;
	[tilespmem:$0xC180] =	vst v63  }
0x6c: {  	_ = 	snop  }
0x6d: {  	[tilespmem:s28], [sflag:$0x1] =	stream.indirect_vreg.gather [hbm4b:s4+s3], $0x80, v6, vm0, $0xb8;
	[tilespmem:$0xC180] =	vst v63  }
0x6e: {  	v6 =	vld [tilespmem:$0x80];
	_ =	sdelay $0x4  }
0x6f: {  	v7 =	vshll.u32 v6, $0x1  }
0x70: {  	v6 =	vand.u32 $0x7, v6;
	v7 =	vand.u32 $0xFFFFFFF0, v7  }
0x71: {  	v6 =	vor.u32 v6, v7  }
0x72: {  	v7 =	vperm.xlane v6, v0;
	_ =	sdelay $0x1  }
0x73: {  	v6 =	vperm.xlane v6, v2;
	v7 =	vadd.s32 v1, v7;
	_ =	sdelay $0x1  }
0x74: {  	v6 =	vadd.s32 v1, v6;
	_ =	sdelay $0x2  }
0x75: {  	[tilespmem:s29], [sflag:$0x1] =	stream.indirect_vreg.gather [hbm4b:s4+s3], $0x80, v7, vm0, $0xb8;
	[tilespmem:$0xC180] =	vst v63  }
0x76: {  	_ = 	snop  }
0x77: {  	[tilespmem:s30], [sflag:$0x1] =	stream.indirect_vreg.gather [hbm4b:s4+s3], $0x80, v6, vm0, $0xb8;
	[tilespmem:$0xC180] =	vst v63  }
0x78: {  	v6 =	vld [tilespmem:$0x90];
	_ =	sdelay $0x4  }
0x79: {  	v7 =	vshll.u32 v6, $0x1  }
0x7a: {  	v6 =	vand.u32 $0x7, v6;
	v7 =	vand.u32 $0xFFFFFFF0, v7  }
0x7b: {  	v6 =	vor.u32 v6, v7  }
0x7c: {  	v7 =	vperm.xlane v6, v0;
	_ =	sdelay $0x1  }
0x7d: {  	v6 =	vperm.xlane v6, v2;
	v7 =	vadd.s32 v1, v7;
	_ =	sdelay $0x1  }
0x7e: {  	v6 =	vadd.s32 v1, v6;
	_ =	sdelay $0x2  }
0x7f: {  	[tilespmem:s31], [sflag:$0x1] =	stream.indirect_vreg.gather [hbm4b:s4+s3], $0x80, v7, vm0, $0xb8;
	[tilespmem:$0xC180] =	vst v63  }
0x80: {  	_ = 	snop  }
0x81: {  	[tilespmem:s0], [sflag:$0x1] =	stream.indirect_vreg.gather [hbm4b:s4+s3], $0x80, v6, vm0, $0xb8;
	[tilespmem:$0xC180] =	vst v63  }
0x82: {  	v6 =	vld [tilespmem:$0xA0];
	_ =	sdelay $0x4  }
0x83: {  	v7 =	vshll.u32 v6, $0x1  }
0x84: {  	v6 =	vand.u32 $0x7, v6;
	v7 =	vand.u32 $0xFFFFFFF0, v7  }
0x85: {  	v6 =	vor.u32 v6, v7  }
0x86: {  	v7 =	vperm.xlane v6, v0;
	_ =	sdelay $0x1  }
0x87: {  	v6 =	vperm.xlane v6, v2;
	v7 =	vadd.s32 v1, v7;
	_ =	sdelay $0x1  }
0x88: {  	v6 =	vadd.s32 v1, v6;
	_ =	sdelay $0x1  }
0x89: {  	s2 =	simm.s32 $0xA180  }
0x8a: {  	[tilespmem:s2], [sflag:$0x1] =	stream.indirect_vreg.gather [hbm4b:s4+s3], $0x80, v7, vm0, $0xb8;
	[tilespmem:$0xC180] =	vst v63  }
0x8b: {  	s2 =	simm.s32 $0xA980  }
0x8c: {  	[tilespmem:s2], [sflag:$0x1] =	stream.indirect_vreg.gather [hbm4b:s4+s3], $0x80, v6, vm0, $0xb8;
	[tilespmem:$0xC180] =	vst v63  }
0x8d: {  	v6 =	vld [tilespmem:$0xB0];
	_ =	sdelay $0x4  }
0x8e: {  	v7 =	vshll.u32 v6, $0x1  }
0x8f: {  	v6 =	vand.u32 $0x7, v6;
	v7 =	vand.u32 $0xFFFFFFF0, v7  }
0x90: {  	v6 =	vor.u32 v6, v7  }
0x91: {  	v7 =	vperm.xlane v6, v0;
	_ =	sdelay $0x1  }
0x92: {  	v6 =	vperm.xlane v6, v2;
	v7 =	vadd.s32 v1, v7;
	_ =	sdelay $0x1  }
0x93: {  	v6 =	vadd.s32 v1, v6;
	_ =	sdelay $0x1  }
0x94: {  	s2 =	simm.s32 $0xB180  }
0x95: {  	[tilespmem:s2], [sflag:$0x1] =	stream.indirect_vreg.gather [hbm4b:s4+s3], $0x80, v7, vm0, $0xb8;
	[tilespmem:$0xC180] =	vst v63  }
0x96: {  	s2 =	simm.s32 $0xB980  }
0x97: {  	[tilespmem:s2], [sflag:$0x1] =	stream.indirect_vreg.gather [hbm4b:s4+s3], $0x80, v6, vm0, $0xb8;
	[tilespmem:$0xC180] =	vst v63  }
0x98: {  	_ =	swait.ge [sflag:s1], $0x6000  }
0x99: {  	[sflag:s1] =	ssyncset.done $0x0  }
0x9a: {  	[sflag:s1] =	ssyncadd.s32 $0xFFFFA000  }
0x9b: {  	[hbm4b:s6+s3] =	stream.linear.scatter [tilespmem:s12], [sflag:$0x1], $0x6000, $0x38;
	[tilespmem:$0xC180] =	vst v63  }
0x9c: {  	_ =	swait.ge [sflag:s1], $0x6000  }
0x9d: {  	[sflag:s1] =	ssyncset.done $0x0  }
0x9e: {  	[sflag:s1] =	ssyncadd.s32 $0xFFFFA000  }
0x9f: {  	[hbm4b:s7+s3] =	stream.linear.scatter [tilespmem:s24], [sflag:$0x1], $0x6000, $0x38;
	[tilespmem:$0xC180] =	vst v63  }
0xa0: {  	_ =	swait.ge [sflag:s1], $0x6000  }
0xa1: {  	[sflag:s1] =	ssyncset.done $0x0  }
0xa2: {  	[sflag:s1] =	ssyncadd.s32 $0xFFFFA000  }
0xa3: {  	_ =	swait.ge [sflag:s1], $0x6000  }
0xa4: {  	[sflag:s1] =	ssyncset.done $0x0  }
0xa5: {  	[sflag:s1] =	ssyncadd.s32 $0xFFFFA000  }
.LBB2_3:
.Ltmp3:
0xa6: {  	(pc) =	sbr.rel @p1 .LBB2_5-.Ltmp3, $1  }
0xa7: {  	_ =	sdelay $0x3  }
0xa8: {  	[tilespmem:s3], [sflag:$0x2] =	stream.linear.gather [hbm4b:s8+s3], $0xA0, $0x38;
	[tilespmem:$0xC180] =	vst v63  }
0xa9: {  	_ =	swait.ge [sflag:s11], $0xA0  }
0xaa: {  	[sflag:s11] =	ssyncset.done $0x0  }
0xab: {  	[sflag:s11] =	ssyncadd.s32 $0xFFFFFF60  }
0xac: {  	v6 =	vld [tilespmem:$0x0];
	_ =	sdelay $0x4  }
0xad: {  	v7 =	vshll.u32 v6, $0x1  }
0xae: {  	v6 =	vand.u32 $0x7, v6;
	v7 =	vand.u32 $0xFFFFFFF0, v7  }
0xaf: {  	v6 =	vor.u32 v6, v7  }
0xb0: {  	v7 =	vperm.xlane v6, v0;
	_ =	sdelay $0x1  }
0xb1: {  	v6 =	vperm.xlane v6, v2;
	v7 =	vadd.s32 v1, v7;
	_ =	sdelay $0x1  }
0xb2: {  	v6 =	vadd.s32 v1, v6;
	_ =	sdelay $0x2  }
0xb3: {  	[tilespmem:s12], [sflag:$0x1] =	stream.indirect_vreg.gather [hbm4b:s4+s3], $0x80, v7, vm0, $0xb8;
	[tilespmem:$0xC180] =	vst v63  }
0xb4: {  	_ = 	snop  }
0xb5: {  	[tilespmem:s13], [sflag:$0x1] =	stream.indirect_vreg.gather [hbm4b:s4+s3], $0x80, v6, vm0, $0xb8;
	[tilespmem:$0xC180] =	vst v63  }
0xb6: {  	v6 =	vld [tilespmem:$0x10];
	_ =	sdelay $0x4  }
0xb7: {  	v7 =	vshll.u32 v6, $0x1  }
0xb8: {  	v6 =	vand.u32 $0x7, v6;
	v7 =	vand.u32 $0xFFFFFFF0, v7  }
0xb9: {  	v6 =	vor.u32 v6, v7  }
0xba: {  	v7 =	vperm.xlane v6, v0;
	_ =	sdelay $0x1  }
0xbb: {  	v6 =	vperm.xlane v6, v2;
	v7 =	vadd.s32 v1, v7;
	_ =	sdelay $0x1  }
0xbc: {  	v6 =	vadd.s32 v1, v6;
	_ =	sdelay $0x2  }
0xbd: {  	[tilespmem:s14], [sflag:$0x1] =	stream.indirect_vreg.gather [hbm4b:s4+s3], $0x80, v7, vm0, $0xb8;
	[tilespmem:$0xC180] =	vst v63  }
0xbe: {  	_ = 	snop  }
0xbf: {  	[tilespmem:s15], [sflag:$0x1] =	stream.indirect_vreg.gather [hbm4b:s4+s3], $0x80, v6, vm0, $0xb8;
	[tilespmem:$0xC180] =	vst v63  }
0xc0: {  	v6 =	vld [tilespmem:$0x20];
	_ =	sdelay $0x4  }
0xc1: {  	v7 =	vshll.u32 v6, $0x1  }
0xc2: {  	v6 =	vand.u32 $0x7, v6;
	v7 =	vand.u32 $0xFFFFFFF0, v7  }
0xc3: {  	v6 =	vor.u32 v6, v7  }
0xc4: {  	v7 =	vperm.xlane v6, v0;
	_ =	sdelay $0x1  }
0xc5: {  	v6 =	vperm.xlane v6, v2;
	v7 =	vadd.s32 v1, v7;
	_ =	sdelay $0x1  }
0xc6: {  	v6 =	vadd.s32 v1, v6;
	_ =	sdelay $0x2  }
0xc7: {  	[tilespmem:s16], [sflag:$0x1] =	stream.indirect_vreg.gather [hbm4b:s4+s3], $0x80, v7, vm0, $0xb8;
	[tilespmem:$0xC180] =	vst v63  }
0xc8: {  	_ = 	snop  }
0xc9: {  	[tilespmem:s17], [sflag:$0x1] =	stream.indirect_vreg.gather [hbm4b:s4+s3], $0x80, v6, vm0, $0xb8;
	[tilespmem:$0xC180] =	vst v63  }
0xca: {  	v6 =	vld [tilespmem:$0x30];
	_ =	sdelay $0x4  }
0xcb: {  	v7 =	vshll.u32 v6, $0x1  }
0xcc: {  	v6 =	vand.u32 $0x7, v6;
	v7 =	vand.u32 $0xFFFFFFF0, v7  }
0xcd: {  	v6 =	vor.u32 v6, v7  }
0xce: {  	v7 =	vperm.xlane v6, v0;
	_ =	sdelay $0x1  }
0xcf: {  	v6 =	vperm.xlane v6, v2;
	v7 =	vadd.s32 v1, v7;
	_ =	sdelay $0x1  }
0xd0: {  	v6 =	vadd.s32 v1, v6;
	_ =	sdelay $0x2  }
0xd1: {  	[tilespmem:s18], [sflag:$0x1] =	stream.indirect_vreg.gather [hbm4b:s4+s3], $0x80, v7, vm0, $0xb8;
	[tilespmem:$0xC180] =	vst v63  }
0xd2: {  	_ = 	snop  }
0xd3: {  	[tilespmem:s19], [sflag:$0x1] =	stream.indirect_vreg.gather [hbm4b:s4+s3], $0x80, v6, vm0, $0xb8;
	[tilespmem:$0xC180] =	vst v63  }
0xd4: {  	v6 =	vld [tilespmem:$0x40];
	_ =	sdelay $0x4  }
0xd5: {  	v7 =	vshll.u32 v6, $0x1  }
0xd6: {  	v6 =	vand.u32 $0x7, v6;
	v7 =	vand.u32 $0xFFFFFFF0, v7  }
0xd7: {  	v6 =	vor.u32 v6, v7  }
0xd8: {  	v7 =	vperm.xlane v6, v0;
	_ =	sdelay $0x1  }
0xd9: {  	v6 =	vperm.xlane v6, v2;
	v7 =	vadd.s32 v1, v7;
	_ =	sdelay $0x1  }
0xda: {  	v6 =	vadd.s32 v1, v6;
	_ =	sdelay $0x2  }
0xdb: {  	[tilespmem:s20], [sflag:$0x1] =	stream.indirect_vreg.gather [hbm4b:s4+s3], $0x80, v7, vm0, $0xb8;
	[tilespmem:$0xC180] =	vst v63  }
0xdc: {  	_ = 	snop  }
0xdd: {  	[tilespmem:s21], [sflag:$0x1] =	stream.indirect_vreg.gather [hbm4b:s4+s3], $0x80, v6, vm0, $0xb8;
	[tilespmem:$0xC180] =	vst v63  }
0xde: {  	v6 =	vld [tilespmem:$0x50];
	_ =	sdelay $0x4  }
0xdf: {  	v7 =	vshll.u32 v6, $0x1  }
0xe0: {  	v6 =	vand.u32 $0x7, v6;
	v7 =	vand.u32 $0xFFFFFFF0, v7  }
0xe1: {  	v6 =	vor.u32 v6, v7  }
0xe2: {  	v7 =	vperm.xlane v6, v0;
	_ =	sdelay $0x1  }
0xe3: {  	v6 =	vperm.xlane v6, v2;
	v7 =	vadd.s32 v1, v7;
	_ =	sdelay $0x1  }
0xe4: {  	v6 =	vadd.s32 v1, v6;
	_ =	sdelay $0x2  }
0xe5: {  	[tilespmem:s22], [sflag:$0x1] =	stream.indirect_vreg.gather [hbm4b:s4+s3], $0x80, v7, vm0, $0xb8;
	[tilespmem:$0xC180] =	vst v63  }
0xe6: {  	_ = 	snop  }
0xe7: {  	[tilespmem:s23], [sflag:$0x1] =	stream.indirect_vreg.gather [hbm4b:s4+s3], $0x80, v6, vm0, $0xb8;
	[tilespmem:$0xC180] =	vst v63  }
0xe8: {  	v6 =	vld [tilespmem:$0x60];
	_ =	sdelay $0x4  }
0xe9: {  	v7 =	vshll.u32 v6, $0x1  }
0xea: {  	v6 =	vand.u32 $0x7, v6;
	v7 =	vand.u32 $0xFFFFFFF0, v7  }
0xeb: {  	v6 =	vor.u32 v6, v7  }
0xec: {  	v7 =	vperm.xlane v6, v0;
	_ =	sdelay $0x1  }
0xed: {  	v6 =	vperm.xlane v6, v2;
	v7 =	vadd.s32 v1, v7;
	_ =	sdelay $0x1  }
0xee: {  	v6 =	vadd.s32 v1, v6;
	_ =	sdelay $0x2  }
0xef: {  	[tilespmem:s24], [sflag:$0x1] =	stream.indirect_vreg.gather [hbm4b:s4+s3], $0x80, v7, vm0, $0xb8;
	[tilespmem:$0xC180] =	vst v63  }
0xf0: {  	_ = 	snop  }
0xf1: {  	[tilespmem:s25], [sflag:$0x1] =	stream.indirect_vreg.gather [hbm4b:s4+s3], $0x80, v6, vm0, $0xb8;
	[tilespmem:$0xC180] =	vst v63  }
0xf2: {  	v6 =	vld [tilespmem:$0x70];
	_ =	sdelay $0x4  }
0xf3: {  	v7 =	vshll.u32 v6, $0x1  }
0xf4: {  	v6 =	vand.u32 $0x7, v6;
	v7 =	vand.u32 $0xFFFFFFF0, v7  }
0xf5: {  	v6 =	vor.u32 v6, v7  }
0xf6: {  	v7 =	vperm.xlane v6, v0;
	_ =	sdelay $0x1  }
0xf7: {  	v6 =	vperm.xlane v6, v2;
	v7 =	vadd.s32 v1, v7;
	_ =	sdelay $0x1  }
0xf8: {  	v6 =	vadd.s32 v1, v6;
	_ =	sdelay $0x2  }
0xf9: {  	[tilespmem:s26], [sflag:$0x1] =	stream.indirect_vreg.gather [hbm4b:s4+s3], $0x80, v7, vm0, $0xb8;
	[tilespmem:$0xC180] =	vst v63  }
0xfa: {  	_ = 	snop  }
0xfb: {  	[tilespmem:s28], [sflag:$0x1] =	stream.indirect_vreg.gather [hbm4b:s4+s3], $0x80, v6, vm0, $0xb8;
	[tilespmem:$0xC180] =	vst v63  }
0xfc: {  	v6 =	vld [tilespmem:$0x80];
	_ =	sdelay $0x4  }
0xfd: {  	v7 =	vshll.u32 v6, $0x1  }
0xfe: {  	v6 =	vand.u32 $0x7, v6;
	v7 =	vand.u32 $0xFFFFFFF0, v7  }
0xff: {  	v6 =	vor.u32 v6, v7  }
0x100: {  	v7 =	vperm.xlane v6, v0;
	_ =	sdelay $0x1  }
0x101: {  	v6 =	vperm.xlane v6, v2;
	v7 =	vadd.s32 v1, v7;
	_ =	sdelay $0x1  }
0x102: {  	v6 =	vadd.s32 v1, v6;
	_ =	sdelay $0x2  }
0x103: {  	[tilespmem:s29], [sflag:$0x1] =	stream.indirect_vreg.gather [hbm4b:s4+s3], $0x80, v7, vm0, $0xb8;
	[tilespmem:$0xC180] =	vst v63  }
0x104: {  	_ = 	snop  }
0x105: {  	[tilespmem:s30], [sflag:$0x1] =	stream.indirect_vreg.gather [hbm4b:s4+s3], $0x80, v6, vm0, $0xb8;
	[tilespmem:$0xC180] =	vst v63  }
0x106: {  	v6 =	vld [tilespmem:$0x90];
	_ =	sdelay $0x4  }
0x107: {  	v7 =	vshll.u32 v6, $0x1  }
0x108: {  	v6 =	vand.u32 $0x7, v6;
	v7 =	vand.u32 $0xFFFFFFF0, v7  }
0x109: {  	v6 =	vor.u32 v6, v7  }
0x10a: {  	v7 =	vperm.xlane v6, v0;
	_ =	sdelay $0x1  }
0x10b: {  	v6 =	vperm.xlane v6, v2;
	v7 =	vadd.s32 v1, v7;
	_ =	sdelay $0x1  }
0x10c: {  	v6 =	vadd.s32 v1, v6;
	_ =	sdelay $0x2  }
0x10d: {  	[tilespmem:s31], [sflag:$0x1] =	stream.indirect_vreg.gather [hbm4b:s4+s3], $0x80, v7, vm0, $0xb8;
	[tilespmem:$0xC180] =	vst v63  }
0x10e: {  	_ = 	snop  }
0x10f: {  	[tilespmem:s0], [sflag:$0x1] =	stream.indirect_vreg.gather [hbm4b:s4+s3], $0x80, v6, vm0, $0xb8;
	[tilespmem:$0xC180] =	vst v63  }
0x110: {  	_ =	swait.ge [sflag:s1], $0x6000  }
0x111: {  	[sflag:s1] =	ssyncset.done $0x0  }
0x112: {  	[sflag:s1] =	ssyncadd.s32 $0xFFFFA000  }
0x113: {  	_ =	swait.ge [sflag:s1], $0x4000  }
0x114: {  	[sflag:s1] =	ssyncset.done $0x0  }
0x115: {  	[sflag:s1] =	ssyncadd.s32 $0xFFFFC000  }
0x116: {  	[hbm4b:s9+s3] =	stream.linear.scatter [tilespmem:s12], [sflag:$0x2], $0x9800, $0x38;
	[tilespmem:$0xC180] =	vst v63  }
0x117: {  	_ =	swait.ge [sflag:s11], $0x9800  }
0x118: {  	[sflag:s11] =	ssyncset.done $0x0  }
0x119: {  	[sflag:s11] =	ssyncadd.s32 $0xFFFF6800  }
0x11a: {  	[tilespmem:$0x100] =	vst v3;
	s2 =	rddreg [dreg:$0x2]  }
0x11b: {  	[hbm4b:s2+s3] =	stream.indirect_vreg.scatter [tilespmem:s31], [sflag:$0x1], $0x80, v4, vm0, $0xb8;
	[tilespmem:$0xC180] =	vst v63  }
.Ltmp4:
0x11c: {  	_ = 	snop;
	(pc) =	sbr.rel .LBB2_5-.Ltmp4, $4  }
0x11d: {  	[hbm4b:s2+s3] =	stream.indirect_vreg.scatter [tilespmem:s0], [sflag:$0x1], $0x80, v5, vm0, $0xb8;
	[tilespmem:$0xC180] =	vst v63  }
0x11e: {  	_ =	swait.ge [sflag:s1], $0x1000  }
0x11f: {  	[sflag:s1] =	ssyncset.done $0x0  }
0x120: {  	[sflag:s1] =	ssyncadd.s32 $0xFFFFF000  }
.LBB2_6:
0x121: {  	_ =	sfence.sel $0x180000  }
0x122: {  	[bflag:$0x0] =	sbarrier.arrive $0xFFFF  }
0x123: {  	_ =	strace $0x90000047  }
0x124: {  	s0 =	stileid.u32;
	[bflag:$0x2] =	sbarrier.arrive $0xFFFF  }
0x125: {  	p0 =	sne.s32 s0, $0x0;
	s0 =	rddreg [dreg:$0x3]  }
0x126: {  	s0 =	sadd.s32 @!p0 $0x100000, s0  }
0x127: {  	[sflag:s0] =	ssyncadd.tile.s32 @!p0 $0x1;
	_ =	shalt  }
.Lfunc_end2:
_tile_overlayer_lowered:
.L_overlay_start_2:
0x128: {  	(tag) =	ssettag $0x2  }
0x129: {  	s0 =	rddreg [dreg:$0x0];
	s2 =	stileid.u32  }
0x12a: {  	s1 =	rddreg [dreg:$0x1];
	p0 =	sne.s32 s2, $0x0  }
0x12b: {  	s3 =	rddreg [dreg:$0x2];
	[bflag:$0x3] =	sbarrier.arrive $0xFFFF;
	s2 =	simm.s32 @!p0 $0x1C02  }
0x12c: {  	[timem:s3], [sflag:s2] =	dma.local @!p0 [hbm:s0], s1  }
0x12d: {  	s0 =	simm.s32 @!p0 $0x2  }
0x12e: {  	_ =	swait.ge @!p0 [sflag:s0], s1  }
0x12f: {  	s1 =	ssub.s32 @!p0 $0x0, s1;
	[sflag:s0] =	ssyncset.done @!p0 $0x0  }
0x130: {  	[sflag:s0] =	ssyncadd.s32 @!p0 s1  }
0x131: {  	[bflag:$0x3] =	sbarrier.arrive $0xFFFF  }
0x132: {  	_ =	shalt  }

</sc_bundles>
